<compile_context>
chip_gen: v7x
topology: tpu7x:2x2x1
jax: 0.10.2.dev20260603
libtpu: 0.0.44.dev20260713+nightly
codegen_flags: <defaults>
</compile_context>

<pallas_src>
import functools

import jax
import jax.numpy as jnp
from jax import lax
from jax.experimental import pallas as pl
from jax.experimental.pallas import tpu as pltpu
from jax.experimental.pallas import tpu_sc as plsc

N = 10000
E = 320000
D = 128
G = 64

NC = 2
NS = 16
NW = NC * NS
N_PAD = 10240
CHUNK = 128
EPW = E // NW
CPW = -(-EPW // CHUNK)
EPW_PAD = CPW * CHUNK
RPT = N_PAD // NS
ROW_BLK = 1024
N_BLKS = N_PAD // ROW_BLK

@functools.cache
def _sc_mesh():
    return plsc.VectorSubcoreMesh(core_axis_name="c", subcore_axis_name="s",
                                  num_cores=NC, num_subcores=NS)


def _deg_body(dst_hbm, out_hbm, dst_v, ones_v, buf, deg_sh):
    c = lax.axis_index("c")
    s = lax.axis_index("s")
    wid = s * NC + c

    @pl.loop(0, CHUNK)
    def _(j):
        @pl.loop(0, D // 16)
        def _(q):
            ones_v[j, pl.ds(q * 16, 16)] = jnp.ones((16,), jnp.float32)
            buf[j, pl.ds(q * 16, 16)] = jnp.zeros((16,), jnp.float32)

    @pl.loop(0, RPT // CHUNK)
    def _(k):
        pltpu.sync_copy(buf, deg_sh.at[pl.ds(s * RPT + k * CHUNK, CHUNK)])

    pltpu.sync_copy(dst_hbm.at[wid], dst_v)
    plsc.subcore_barrier()

    @pl.loop(0, CPW)
    def _(i):
        pltpu.sync_copy(ones_v, deg_sh.at[dst_v.at[i]], add=True)

    plsc.subcore_barrier()

    @pl.loop(0, RPT // CHUNK)
    def _(k):
        off = s * RPT + k * CHUNK
        pltpu.sync_copy(deg_sh.at[pl.ds(off, CHUNK)], buf)
        pltpu.sync_copy(buf, out_hbm.at[c, pl.ds(off, CHUNK)])


@functools.cache
def _deg_kernel():
    return pl.kernel(
        _deg_body,
        out_type=jax.ShapeDtypeStruct((NC, N_PAD, D), jnp.float32),
        mesh=_sc_mesh(),
        scratch_types=[
            pltpu.VMEM((CPW, CHUNK), jnp.int32),
            pltpu.VMEM((CHUNK, D), jnp.float32),
            pltpu.VMEM((CHUNK, D), jnp.float32),
            pltpu.VMEM_SHARED((N_PAD, D), jnp.float32),
        ],
    )


def _agg_body(y_hbm, src_hbm, dst_hbm, out_hbm, src_v, dst_v, bufa,
              acc_sh, sga):
    c = lax.axis_index("c")
    s = lax.axis_index("s")
    wid = s * NC + c

    pltpu.sync_copy(src_hbm.at[wid], src_v)
    pltpu.sync_copy(dst_hbm.at[wid], dst_v)

    @pl.loop(0, RPT // CHUNK)
    def _(k):
        off = s * RPT + k * CHUNK
        pltpu.sync_copy(y_hbm.at[pl.ds(off, CHUNK)], bufa)
        pltpu.sync_copy(bufa, acc_sh.at[pl.ds(off, CHUNK)])

    plsc.subcore_barrier()

    @pl.loop(0, CPW)
    def _(i):
        pltpu.async_copy(y_hbm.at[src_v.at[i]], bufa, sga).wait()
        pltpu.sync_copy(bufa, acc_sh.at[dst_v.at[i]], add=True)

    plsc.subcore_barrier()

    @pl.loop(0, RPT // CHUNK)
    def _(k):
        off = s * RPT + k * CHUNK
        pltpu.sync_copy(acc_sh.at[pl.ds(off, CHUNK)], bufa)
        pltpu.sync_copy(bufa, out_hbm.at[c, pl.ds(off, CHUNK)])


@functools.cache
def _agg_kernel():
    return pl.kernel(
        _agg_body,
        out_type=jax.ShapeDtypeStruct((NC, N_PAD, D), jnp.float32),
        mesh=_sc_mesh(),
        scratch_types=[
            pltpu.VMEM((CPW, CHUNK), jnp.int32),
            pltpu.VMEM((CPW, CHUNK), jnp.int32),
            pltpu.VMEM((CHUNK, D), jnp.float32),
            pltpu.VMEM_SHARED((N_PAD, D), jnp.float32),
            pltpu.SemaphoreType.DMA,
        ],
    )


def _t1_body(x_ref, w_ref, deg_ref, y_ref, dinv_ref):
    x = x_ref[...]
    nrm = jnp.sqrt(jnp.sum(x * x, axis=1, keepdims=True))
    nrm = jnp.where(nrm == 0, 1e-8, nrm)
    h = x / nrm
    xw = jnp.dot(h, w_ref[...], preferred_element_type=jnp.float32)
    d = deg_ref[...]
    deg = d[0, :, 0:1] + d[1, :, 0:1] + 1.0
    dinv = lax.rsqrt(deg)
    y_ref[...] = xw * dinv
    dinv_ref[...] = dinv


def _t2_body(acc_ref, y_ref, dinv_ref, w_ref, b_ref, out_ref):
    a = acc_ref[0] + acc_ref[1]
    dinv = dinv_ref[...]
    pre = (a - y_ref[...]) * dinv + b_ref[...][None, :]
    g = jax.nn.gelu(pre)
    out_ref[...] = jnp.dot(g, w_ref[...], preferred_element_type=jnp.float32) * dinv


def _t3_body(acc_ref, y_ref, dinv_ref, b_ref, batch_ref, wfc_ref, bfc_ref,
             out_ref, pooled):
    i = pl.program_id(0)

    @pl.when(i == 0)
    def _():
        pooled[...] = jnp.zeros((G, D), jnp.float32)

    a = acc_ref[0] + acc_ref[1]
    pre = (a - y_ref[...]) * dinv_ref[...] + b_ref[...][None, :]
    g = jax.nn.gelu(pre)
    oh = (batch_ref[...] == lax.broadcasted_iota(jnp.int32, (ROW_BLK, G), 1))
    oh = oh.astype(jnp.float32)
    pooled[...] += lax.dot_general(oh, g, (((0,), (0,)), ((), ())),
                                   preferred_element_type=jnp.float32)

    @pl.when(i == N_BLKS - 1)
    def _():
        p = pooled[...]
        o = jnp.sum(p * wfc_ref[...][None, :], axis=1) + bfc_ref[...]
        out_ref[...] = jax.nn.gelu(o)[:, None]


def kernel(x, edge_index, batch, W1, b1, W2, b2, Wfc, bfc):
    f32 = jnp.float32
    src = edge_index[0].reshape(NW, EPW)
    dst = edge_index[1].reshape(NW, EPW)
    srcp = jnp.pad(src, ((0, 0), (0, EPW_PAD - EPW))).reshape(NW, CPW, CHUNK)
    dstp = jnp.pad(dst, ((0, 0), (0, EPW_PAD - EPW)),
                   constant_values=N).reshape(NW, CPW, CHUNK)
    xp = jnp.pad(x, ((0, N_PAD - N), (0, 0)))
    batchp = jnp.pad(batch, (0, N_PAD - N), constant_values=G).reshape(N_PAD, 1)

    deg = _deg_kernel()(dstp)

    y1, dinv = pl.pallas_call(
        _t1_body,
        grid=(N_BLKS,),
        in_specs=[
            pl.BlockSpec((ROW_BLK, D), lambda i: (i, 0)),
            pl.BlockSpec((D, D), lambda i: (0, 0)),
            pl.BlockSpec((NC, ROW_BLK, D), lambda i: (0, i, 0)),
        ],
        out_specs=[
            pl.BlockSpec((ROW_BLK, D), lambda i: (i, 0)),
            pl.BlockSpec((ROW_BLK, 1), lambda i: (i, 0)),
        ],
        out_shape=[
            jax.ShapeDtypeStruct((N_PAD, D), f32),
            jax.ShapeDtypeStruct((N_PAD, 1), f32),
        ],
    )(xp, W1, deg)

    acc1 = _agg_kernel()(y1, srcp, dstp)

    y2 = pl.pallas_call(
        _t2_body,
        grid=(N_BLKS,),
        in_specs=[
            pl.BlockSpec((NC, ROW_BLK, D), lambda i: (0, i, 0)),
            pl.BlockSpec((ROW_BLK, D), lambda i: (i, 0)),
            pl.BlockSpec((ROW_BLK, 1), lambda i: (i, 0)),
            pl.BlockSpec((D, D), lambda i: (0, 0)),
            pl.BlockSpec((D,), lambda i: (0,)),
        ],
        out_specs=pl.BlockSpec((ROW_BLK, D), lambda i: (i, 0)),
        out_shape=jax.ShapeDtypeStruct((N_PAD, D), f32),
    )(acc1, y1, dinv, W2, b1)

    acc2 = _agg_kernel()(y2, srcp, dstp)

    out = pl.pallas_call(
        _t3_body,
        grid=(N_BLKS,),
        in_specs=[
            pl.BlockSpec((NC, ROW_BLK, D), lambda i: (0, i, 0)),
            pl.BlockSpec((ROW_BLK, D), lambda i: (i, 0)),
            pl.BlockSpec((ROW_BLK, 1), lambda i: (i, 0)),
            pl.BlockSpec((D,), lambda i: (0,)),
            pl.BlockSpec((ROW_BLK, 1), lambda i: (i, 0)),
            pl.BlockSpec((D,), lambda i: (0,)),
            pl.BlockSpec((1,), lambda i: (0,)),
        ],
        out_specs=pl.BlockSpec((G, 1), lambda i: (0, 0)),
        out_shape=jax.ShapeDtypeStruct((G, 1), f32),
        scratch_shapes=[pltpu.VMEM((G, D), f32)],
    )(acc2, y2, dinv, b2, batchp, Wfc.reshape(D), bfc)

    return out[:, 0]

# --- scband reference (transcript-rebuilt; emitter-appended) ---
"""Pipeline reference for scband-gnn-43911745634881 (READ-ONLY COPY).

The authoritative reference and input builder live on the scoring server;
editing this copy changes nothing except your own understanding.
"""

import jax, jax.numpy as jnp
import numpy as np

N = 10000
E = 320000
D_IN = 128
D_H = 128
D_OUT = 1
G = 64


def gcn_conv(x, edge_index, W, b, num_nodes):
    # PyG GCNConv: linear transform, add self-loops, symmetric normalization, scatter-add to dst
    xw = x @ W
    src = edge_index[0]
    dst = edge_index[1]
    loop = jnp.arange(num_nodes, dtype=src.dtype)
    src = jnp.concatenate([src, loop])
    dst = jnp.concatenate([dst, loop])
    deg = jnp.zeros((num_nodes,), dtype=xw.dtype).at[dst].add(1.0)
    dinv = jnp.where(deg > 0, deg ** -0.5, 0.0)
    norm = dinv[src] * dinv[dst]
    msg = xw[src] * norm[:, None]
    out = jnp.zeros((num_nodes, xw.shape[1]), dtype=xw.dtype).at[dst].add(msg)
    return out + b


def setup_inputs(seed: int = 0) -> dict:
    key = jax.random.key(seed)
    ks = jax.random.split(key, 12)
    x = jax.random.normal(ks[0], (N, D_IN), dtype=jnp.float32)
    edge_index = jax.random.randint(ks[1], (2, E), 0, N, dtype=jnp.int32)
    batch = jnp.sort(jax.random.randint(ks[2], (N,), 0, G, dtype=jnp.int32))
    W1 = jax.random.normal(ks[3], (D_IN, D_H), dtype=jnp.float32) * (1.0 / np.sqrt(D_IN))
    b1 = jnp.zeros((D_H,), dtype=jnp.float32)
    W2 = jax.random.normal(ks[4], (D_H, D_H), dtype=jnp.float32) * (1.0 / np.sqrt(D_H))
    b2 = jnp.zeros((D_H,), dtype=jnp.float32)
    Wfc = jax.random.normal(ks[5], (D_H, D_OUT), dtype=jnp.float32) * (1.0 / np.sqrt(D_H))
    bfc = jnp.zeros((D_OUT,), dtype=jnp.float32)
    return {"x": x, "edge_index": edge_index, "batch": batch, "W1": W1, "b1": b1, "W2": W2, "b2": b2, "Wfc": Wfc, "bfc": bfc}


def reference(x, edge_index, batch, W1, b1, W2, b2, Wfc, bfc):
    norms = jnp.linalg.norm(x, axis=1, keepdims=True)
    norms = jnp.where(norms == 0, 1e-08, norms)
    h = x / norms
    h = gcn_conv(h, edge_index, W1, b1, N)
    h = jax.nn.gelu(h)
    h = gcn_conv(h, edge_index, W2, b2, N)
    h = jax.nn.gelu(h)
    # global_add_pool
    pooled = jax.ops.segment_sum(h, batch, num_segments=G)
    out = pooled @ Wfc + bfc
    out = jax.nn.gelu(out)
    return jnp.squeeze(out, axis=1)


if False:  # reference __main__ guard neutralized (emitter)
    inp = setup_inputs()
    o = reference(**inp)
    print(o.shape, o.dtype)

if __name__ == "__main__":
    import jax
    _d = setup_inputs()
    print(jax.jit(kernel)(*tuple(_d.values())))

</pallas_src>

<mosaic_0001>
#map = affine_map<(d0, d1) -> (0, 0, 0)>
module attributes {stable_mosaic.version = 14 : i64} {
  func.func @_deg_body(%arg0: i32, %arg1: i32, %arg2: memref<32x79x128xi32, #tpu.memory_space<hbm>>, %arg3: memref<2x10240x128xf32, #tpu.memory_space<hbm>>, %arg4: memref<79x128xi32, #tpu.memory_space<vmem>>, %arg5: memref<128x128xf32, #tpu.memory_space<vmem>>, %arg6: memref<128x128xf32, #tpu.memory_space<vmem>>, %arg7: memref<10240x128xf32, #tpu.memory_space<vmem_shared>>) attributes {dimension_semantics = [#tpu.dimension_semantics<core_parallel>, #tpu.dimension_semantics<subcore_parallel>], iteration_bounds = array<i64: 2, 16>, scalar_prefetch = 0 : i64, scratch_operands = 4 : i64, tpu.core_type = #tpu.core_type<sc_vector_subcore>, window_params = [{transform_indices = #map}, {transform_indices = #map}]} {
    %mul3A = arith.constant 2 : i32
    %mul3A_0 = arith.muli %arg1, %mul3A : i32
    %add3A = arith.addi %mul3A_0, %arg0 : i32
    %scan3A = arith.constant 0 : i32
    %scan3A_1 = arith.constant 128 : i32
    %scan3A_2 = arith.addi %scan3A, %scan3A_1 : i32
    %scan3A_3 = arith.constant 1 : i32
    scf.for %scan3A_21 = %scan3A to %scan3A_2 step %scan3A_3  : i32 {
      %mul3A_22 = arith.constant 1 : i32
      %mul3A_23 = arith.muli %scan3A_21, %mul3A_22 : i32
      %add3A_24 = arith.constant 0 : i32
      %add3A_25 = arith.addi %add3A_24, %mul3A_23 : i32
      %scan3A_26 = arith.constant 0 : i32
      %scan3A_27 = arith.constant 8 : i32
      %scan3A_28 = arith.addi %scan3A_26, %scan3A_27 : i32
      %scan3A_29 = arith.constant 1 : i32
      scf.for %scan3A_31 = %scan3A_26 to %scan3A_28 step %scan3A_29  : i32 {
        %mul3A_32 = arith.constant 1 : i32
        %mul3A_33 = arith.muli %scan3A_31, %mul3A_32 : i32
        %add3A_34 = arith.constant 0 : i32
        %add3A_35 = arith.addi %add3A_34, %mul3A_33 : i32
        %broadcast_in_dim3A = arith.constant 1.000000e+00 : f32
        %broadcast_in_dim3A_36 = vector.broadcast %broadcast_in_dim3A : f32 to vector<16xf32>
        %mul3A_37 = arith.constant 16 : i32
        %mul3A_38 = arith.muli %add3A_35, %mul3A_37 : i32
        %swap3A = arith.index_cast %add3A_25 : i32 to index
        %swap3A_39 = arith.index_cast %mul3A_38 : i32 to index
        %swap3A_40 = tpu.vector_load %arg5[%swap3A, %swap3A_39] {strides = array<i32>} : memref<128x128xf32, #tpu.memory_space<vmem>>, vector<1x16xf32>,
        %swap3A_41 = vector.shape_cast %swap3A_40 : vector<1x16xf32> to vector<16xf32>
        %swap3A_42 = vector.shape_cast %broadcast_in_dim3A_36 : vector<16xf32> to vector<1x16xf32>
        tpu.vector_store %arg5[%swap3A, %swap3A_39], %swap3A_42 {strides = array<i32>} : memref<128x128xf32, #tpu.memory_space<vmem>>, vector<1x16xf32>,
        %broadcast_in_dim3A_43 = arith.constant 0.000000e+00 : f32
        %broadcast_in_dim3A_44 = vector.broadcast %broadcast_in_dim3A_43 : f32 to vector<16xf32>
        %mul3A_45 = arith.constant 16 : i32
        %mul3A_46 = arith.muli %add3A_35, %mul3A_45 : i32
        %swap3A_47 = arith.index_cast %add3A_25 : i32 to index
        %swap3A_48 = arith.index_cast %mul3A_46 : i32 to index
        %swap3A_49 = tpu.vector_load %arg6[%swap3A_47, %swap3A_48] {strides = array<i32>} : memref<128x128xf32, #tpu.memory_space<vmem>>, vector<1x16xf32>,
        %swap3A_50 = vector.shape_cast %swap3A_49 : vector<1x16xf32> to vector<16xf32>
        %swap3A_51 = vector.shape_cast %broadcast_in_dim3A_44 : vector<16xf32> to vector<1x16xf32>
        tpu.vector_store %arg6[%swap3A_47, %swap3A_48], %swap3A_51 {strides = array<i32>} : memref<128x128xf32, #tpu.memory_space<vmem>>, vector<1x16xf32>,
      }
      %scan3A_30 = arith.constant 8 : i32
    }
    %scan3A_4 = arith.constant 128 : i32
    %scan3A_5 = arith.constant 0 : i32
    %scan3A_6 = arith.constant 5 : i32
    %scan3A_7 = arith.addi %scan3A_5, %scan3A_6 : i32
    %scan3A_8 = arith.constant 1 : i32
    scf.for %scan3A_21 = %scan3A_5 to %scan3A_7 step %scan3A_8  : i32 {
      %mul3A_22 = arith.constant 1 : i32
      %mul3A_23 = arith.muli %scan3A_21, %mul3A_22 : i32
      %add3A_24 = arith.constant 0 : i32
      %add3A_25 = arith.addi %add3A_24, %mul3A_23 : i32
      %mul3A_26 = arith.constant 640 : i32
      %mul3A_27 = arith.muli %arg1, %mul3A_26 : i32
      %mul3A_28 = arith.constant 128 : i32
      %mul3A_29 = arith.muli %add3A_25, %mul3A_28 : i32
      %add3A_30 = arith.addi %mul3A_27, %mul3A_29 : i32
      "tpu.region"() ({
        %run_scoped3A = tpu.sem_alloc : memref<!tpu.dma_semaphore, #tpu.memory_space<semaphore_mem>>
        %dma_start3A = arith.constant 0 : i32
        %dma_start3A_31 = tpu.memref_slice %arg7[%add3A_30, %dma_start3A] : memref<10240x128xf32, #tpu.memory_space<vmem_shared>> -> memref<128x128xf32, #tpu.memory_space<vmem_shared>>
        %dma_start3A_32 = arith.constant 0 : i32
        %dma_start3A_33 = tpu.memref_slice %arg7[%add3A_30, %dma_start3A_32] : memref<10240x128xf32, #tpu.memory_space<vmem_shared>> -> memref<128x128xf32, #tpu.memory_space<vmem_shared>>
        tpu.enqueue_dma source(%arg6 : memref<128x128xf32, #tpu.memory_space<vmem>>) target(%dma_start3A_33 : memref<128x128xf32, #tpu.memory_space<vmem_shared>>) target_semaphore(%run_scoped3A : memref<!tpu.dma_semaphore, #tpu.memory_space<semaphore_mem>>)
        %dma_wait3A = arith.constant 0 : i32
        %dma_wait3A_34 = tpu.memref_slice %arg7[%add3A_30, %dma_wait3A] : memref<10240x128xf32, #tpu.memory_space<vmem_shared>> -> memref<128x128xf32, #tpu.memory_space<vmem_shared>>
        %dma_wait3A_35 = arith.constant 0 : i32
        %dma_wait3A_36 = tpu.memref_slice %arg7[%add3A_30, %dma_wait3A_35] : memref<10240x128xf32, #tpu.memory_space<vmem_shared>> -> memref<128x128xf32, #tpu.memory_space<vmem_shared>>
        tpu.wait_dma2 semaphore(%run_scoped3A : memref<!tpu.dma_semaphore, #tpu.memory_space<semaphore_mem>>) src(%arg6 : memref<128x128xf32, #tpu.memory_space<vmem>>) dst(%dma_wait3A_36 : memref<128x128xf32, #tpu.memory_space<vmem_shared>>)
        tpu.yield
      }) : () -> ()
    }
    %scan3A_9 = arith.constant 5 : i32
    "tpu.region"() ({
      %run_scoped3A = tpu.sem_alloc : memref<!tpu.dma_semaphore, #tpu.memory_space<semaphore_mem>>
      %dma_start3A = arith.constant 0 : i32
      %dma_start3A_21 = arith.constant 0 : i32
      %dma_start3A_22 = tpu.memref_slice %arg2[%add3A, %dma_start3A, %dma_start3A_21] : memref<32x79x128xi32, #tpu.memory_space<hbm>> -> memref<1x79x128xi32, #tpu.memory_space<hbm>>
      %dma_start3A_23 = tpu.memref_squeeze %dma_start3A_22 : memref<1x79x128xi32, #tpu.memory_space<hbm>> -> memref<79x128xi32, #tpu.memory_space<hbm>>
      %dma_start3A_24 = arith.constant 0 : i32
      %dma_start3A_25 = arith.constant 0 : i32
      %dma_start3A_26 = tpu.memref_slice %arg2[%add3A, %dma_start3A_24, %dma_start3A_25] : memref<32x79x128xi32, #tpu.memory_space<hbm>> -> memref<1x79x128xi32, #tpu.memory_space<hbm>>
      %dma_start3A_27 = tpu.memref_squeeze %dma_start3A_26 : memref<1x79x128xi32, #tpu.memory_space<hbm>> -> memref<79x128xi32, #tpu.memory_space<hbm>>
      tpu.enqueue_dma source(%dma_start3A_27 : memref<79x128xi32, #tpu.memory_space<hbm>>) target(%arg4 : memref<79x128xi32, #tpu.memory_space<vmem>>) target_semaphore(%run_scoped3A : memref<!tpu.dma_semaphore, #tpu.memory_space<semaphore_mem>>)
      %dma_wait3A = arith.constant 0 : i32
      %dma_wait3A_28 = arith.constant 0 : i32
      %dma_wait3A_29 = tpu.memref_slice %arg2[%add3A, %dma_wait3A, %dma_wait3A_28] : memref<32x79x128xi32, #tpu.memory_space<hbm>> -> memref<1x79x128xi32, #tpu.memory_space<hbm>>
      %dma_wait3A_30 = tpu.memref_squeeze %dma_wait3A_29 : memref<1x79x128xi32, #tpu.memory_space<hbm>> -> memref<79x128xi32, #tpu.memory_space<hbm>>
      %dma_wait3A_31 = arith.constant 0 : i32
      %dma_wait3A_32 = arith.constant 0 : i32
      %dma_wait3A_33 = tpu.memref_slice %arg2[%add3A, %dma_wait3A_31, %dma_wait3A_32] : memref<32x79x128xi32, #tpu.memory_space<hbm>> -> memref<1x79x128xi32, #tpu.memory_space<hbm>>
      %dma_wait3A_34 = tpu.memref_squeeze %dma_wait3A_33 : memref<1x79x128xi32, #tpu.memory_space<hbm>> -> memref<79x128xi32, #tpu.memory_space<hbm>>
      tpu.wait_dma2 semaphore(%run_scoped3A : memref<!tpu.dma_semaphore, #tpu.memory_space<semaphore_mem>>) src(%dma_wait3A_34 : memref<79x128xi32, #tpu.memory_space<hbm>>) dst(%arg4 : memref<79x128xi32, #tpu.memory_space<vmem>>)
      tpu.yield
    }) : () -> ()
    %barrier3A = arith.constant 0 : index
    tpu.barrier barrier_id(%barrier3A)
    %scan3A_10 = arith.constant 0 : i32
    %scan3A_11 = arith.constant 79 : i32
    %scan3A_12 = arith.addi %scan3A_10, %scan3A_11 : i32
    %scan3A_13 = arith.constant 1 : i32
    scf.for %scan3A_21 = %scan3A_10 to %scan3A_12 step %scan3A_13  : i32 {
      %mul3A_22 = arith.constant 1 : i32
      %mul3A_23 = arith.muli %scan3A_21, %mul3A_22 : i32
      %add3A_24 = arith.constant 0 : i32
      %add3A_25 = arith.addi %add3A_24, %mul3A_23 : i32
      "tpu.region"() ({
        %run_scoped3A = tpu.sem_alloc : memref<!tpu.dma_semaphore, #tpu.memory_space<semaphore_mem>>
        %dma_start3A = arith.constant 0 : i32
        %dma_start3A_26 = tpu.memref_slice %arg4[%add3A_25, %dma_start3A] : memref<79x128xi32, #tpu.memory_space<vmem>> -> memref<1x128xi32, #tpu.memory_space<vmem>>
        %dma_start3A_27 = tpu.memref_squeeze %dma_start3A_26 : memref<1x128xi32, #tpu.memory_space<vmem>> -> memref<128xi32, #tpu.memory_space<vmem>>
        %dma_start3A_28 = arith.constant 0 : i32
        %dma_start3A_29 = arith.constant 0 : i32
        %dma_start3A_30 = tpu.memref_slice %arg7[%dma_start3A_28, %dma_start3A_29] : memref<10240x128xf32, #tpu.memory_space<vmem_shared>> -> memref<10240x128xf32, #tpu.memory_space<vmem_shared>>
        tpu.enqueue_indirect_dma source(%arg5 : memref<128x128xf32, #tpu.memory_space<vmem>>) target(%dma_start3A_30 : memref<10240x128xf32, #tpu.memory_space<vmem_shared>>) offsets(%dma_start3A_27 : memref<128xi32, #tpu.memory_space<vmem>>) semaphore(%run_scoped3A : memref<!tpu.dma_semaphore, #tpu.memory_space<semaphore_mem>>) {add = true}
        %dma_wait3A = arith.constant 0 : i32
        %dma_wait3A_31 = tpu.memref_slice %arg4[%add3A_25, %dma_wait3A] : memref<79x128xi32, #tpu.memory_space<vmem>> -> memref<1x128xi32, #tpu.memory_space<vmem>>
        %dma_wait3A_32 = tpu.memref_squeeze %dma_wait3A_31 : memref<1x128xi32, #tpu.memory_space<vmem>> -> memref<128xi32, #tpu.memory_space<vmem>>
        %dma_wait3A_33 = arith.constant 0 : i32
        %dma_wait3A_34 = arith.constant 0 : i32
        %dma_wait3A_35 = tpu.memref_slice %arg7[%dma_wait3A_33, %dma_wait3A_34] : memref<10240x128xf32, #tpu.memory_space<vmem_shared>> -> memref<10240x128xf32, #tpu.memory_space<vmem_shared>>
        tpu.wait_indirect_dma semaphore(%run_scoped3A : memref<!tpu.dma_semaphore, #tpu.memory_space<semaphore_mem>>) src(%arg5 : memref<128x128xf32, #tpu.memory_space<vmem>>) dst(%dma_wait3A_35 : memref<10240x128xf32, #tpu.memory_space<vmem_shared>>)
        tpu.yield
      }) : () -> ()
    }
    %scan3A_14 = arith.constant 79 : i32
    %barrier3A_15 = arith.constant 0 : index
    tpu.barrier barrier_id(%barrier3A_15)
    %scan3A_16 = arith.constant 0 : i32
    %scan3A_17 = arith.constant 5 : i32
    %scan3A_18 = arith.addi %scan3A_16, %scan3A_17 : i32
    %scan3A_19 = arith.constant 1 : i32
    scf.for %scan3A_21 = %scan3A_16 to %scan3A_18 step %scan3A_19  : i32 {
      %mul3A_22 = arith.constant 1 : i32
      %mul3A_23 = arith.muli %scan3A_21, %mul3A_22 : i32
      %add3A_24 = arith.constant 0 : i32
      %add3A_25 = arith.addi %add3A_24, %mul3A_23 : i32
      %mul3A_26 = arith.constant 640 : i32
      %mul3A_27 = arith.muli %arg1, %mul3A_26 : i32
      %mul3A_28 = arith.constant 128 : i32
      %mul3A_29 = arith.muli %add3A_25, %mul3A_28 : i32
      %add3A_30 = arith.addi %mul3A_27, %mul3A_29 : i32
      "tpu.region"() ({
        %run_scoped3A = tpu.sem_alloc : memref<!tpu.dma_semaphore, #tpu.memory_space<semaphore_mem>>
        %dma_start3A = arith.constant 0 : i32
        %dma_start3A_31 = tpu.memref_slice %arg7[%add3A_30, %dma_start3A] : memref<10240x128xf32, #tpu.memory_space<vmem_shared>> -> memref<128x128xf32, #tpu.memory_space<vmem_shared>>
        %dma_start3A_32 = arith.constant 0 : i32
        %dma_start3A_33 = tpu.memref_slice %arg7[%add3A_30, %dma_start3A_32] : memref<10240x128xf32, #tpu.memory_space<vmem_shared>> -> memref<128x128xf32, #tpu.memory_space<vmem_shared>>
        tpu.enqueue_dma source(%dma_start3A_33 : memref<128x128xf32, #tpu.memory_space<vmem_shared>>) target(%arg6 : memref<128x128xf32, #tpu.memory_space<vmem>>) target_semaphore(%run_scoped3A : memref<!tpu.dma_semaphore, #tpu.memory_space<semaphore_mem>>)
        %dma_wait3A = arith.constant 0 : i32
        %dma_wait3A_34 = tpu.memref_slice %arg7[%add3A_30, %dma_wait3A] : memref<10240x128xf32, #tpu.memory_space<vmem_shared>> -> memref<128x128xf32, #tpu.memory_space<vmem_shared>>
        %dma_wait3A_35 = arith.constant 0 : i32
        %dma_wait3A_36 = tpu.memref_slice %arg7[%add3A_30, %dma_wait3A_35] : memref<10240x128xf32, #tpu.memory_space<vmem_shared>> -> memref<128x128xf32, #tpu.memory_space<vmem_shared>>
        tpu.wait_dma2 semaphore(%run_scoped3A : memref<!tpu.dma_semaphore, #tpu.memory_space<semaphore_mem>>) src(%dma_wait3A_36 : memref<128x128xf32, #tpu.memory_space<vmem_shared>>) dst(%arg6 : memref<128x128xf32, #tpu.memory_space<vmem>>)
        tpu.yield
      }) : () -> ()
      "tpu.region"() ({
        %run_scoped3A = tpu.sem_alloc : memref<!tpu.dma_semaphore, #tpu.memory_space<semaphore_mem>>
        %dma_start3A = arith.constant 0 : i32
        %dma_start3A_31 = tpu.memref_slice %arg3[%arg0, %add3A_30, %dma_start3A] : memref<2x10240x128xf32, #tpu.memory_space<hbm>> -> memref<1x128x128xf32, #tpu.memory_space<hbm>>
        %dma_start3A_32 = tpu.memref_squeeze %dma_start3A_31 : memref<1x128x128xf32, #tpu.memory_space<hbm>> -> memref<128x128xf32, #tpu.memory_space<hbm>>
        %dma_start3A_33 = arith.constant 0 : i32
        %dma_start3A_34 = tpu.memref_slice %arg3[%arg0, %add3A_30, %dma_start3A_33] : memref<2x10240x128xf32, #tpu.memory_space<hbm>> -> memref<1x128x128xf32, #tpu.memory_space<hbm>>
        %dma_start3A_35 = tpu.memref_squeeze %dma_start3A_34 : memref<1x128x128xf32, #tpu.memory_space<hbm>> -> memref<128x128xf32, #tpu.memory_space<hbm>>
        tpu.enqueue_dma source(%arg6 : memref<128x128xf32, #tpu.memory_space<vmem>>) target(%dma_start3A_35 : memref<128x128xf32, #tpu.memory_space<hbm>>) target_semaphore(%run_scoped3A : memref<!tpu.dma_semaphore, #tpu.memory_space<semaphore_mem>>)
        %dma_wait3A = arith.constant 0 : i32
        %dma_wait3A_36 = tpu.memref_slice %arg3[%arg0, %add3A_30, %dma_wait3A] : memref<2x10240x128xf32, #tpu.memory_space<hbm>> -> memref<1x128x128xf32, #tpu.memory_space<hbm>>
        %dma_wait3A_37 = tpu.memref_squeeze %dma_wait3A_36 : memref<1x128x128xf32, #tpu.memory_space<hbm>> -> memref<128x128xf32, #tpu.memory_space<hbm>>
        %dma_wait3A_38 = arith.constant 0 : i32
        %dma_wait3A_39 = tpu.memref_slice %arg3[%arg0, %add3A_30, %dma_wait3A_38] : memref<2x10240x128xf32, #tpu.memory_space<hbm>> -> memref<1x128x128xf32, #tpu.memory_space<hbm>>
        %dma_wait3A_40 = tpu.memref_squeeze %dma_wait3A_39 : memref<1x128x128xf32, #tpu.memory_space<hbm>> -> memref<128x128xf32, #tpu.memory_space<hbm>>
        tpu.wait_dma2 semaphore(%run_scoped3A : memref<!tpu.dma_semaphore, #tpu.memory_space<semaphore_mem>>) src(%arg6 : memref<128x128xf32, #tpu.memory_space<vmem>>) dst(%dma_wait3A_40 : memref<128x128xf32, #tpu.memory_space<hbm>>)
        tpu.yield
      }) : () -> ()
    }
    %scan3A_20 = arith.constant 5 : i32
    return
  }
}

#map = affine_map<(d0, d1) -> (0, 0)>
#map1 = affine_map<(d0, d1) -> (0, 0, 0)>
module attributes {stable_mosaic.version = 14 : i64} {
  func.func @_agg_body(%arg0: i32, %arg1: i32, %arg2: memref<10240x128xf32, #tpu.memory_space<hbm>>, %arg3: memref<32x79x128xi32, #tpu.memory_space<hbm>>, %arg4: memref<32x79x128xi32, #tpu.memory_space<hbm>>, %arg5: memref<2x10240x128xf32, #tpu.memory_space<hbm>>, %arg6: memref<79x128xi32, #tpu.memory_space<vmem>>, %arg7: memref<79x128xi32, #tpu.memory_space<vmem>>, %arg8: memref<128x128xf32, #tpu.memory_space<vmem>>, %arg9: memref<10240x128xf32, #tpu.memory_space<vmem_shared>>, %arg10: memref<!tpu.dma_semaphore, #tpu.memory_space<semaphore_mem>>) attributes {dimension_semantics = [#tpu.dimension_semantics<core_parallel>, #tpu.dimension_semantics<subcore_parallel>], iteration_bounds = array<i64: 2, 16>, scalar_prefetch = 0 : i64, scratch_operands = 5 : i64, tpu.core_type = #tpu.core_type<sc_vector_subcore>, window_params = [{transform_indices = #map}, {transform_indices = #map1}, {transform_indices = #map1}, {transform_indices = #map1}]} {
    %mul3A = arith.constant 2 : i32
    %mul3A_0 = arith.muli %arg1, %mul3A : i32
    %add3A = arith.addi %mul3A_0, %arg0 : i32
    "tpu.region"() ({
      %run_scoped3A = tpu.sem_alloc : memref<!tpu.dma_semaphore, #tpu.memory_space<semaphore_mem>>
      %dma_start3A = arith.constant 0 : i32
      %dma_start3A_16 = arith.constant 0 : i32
      %dma_start3A_17 = tpu.memref_slice %arg3[%add3A, %dma_start3A, %dma_start3A_16] : memref<32x79x128xi32, #tpu.memory_space<hbm>> -> memref<1x79x128xi32, #tpu.memory_space<hbm>>
      %dma_start3A_18 = tpu.memref_squeeze %dma_start3A_17 : memref<1x79x128xi32, #tpu.memory_space<hbm>> -> memref<79x128xi32, #tpu.memory_space<hbm>>
      %dma_start3A_19 = arith.constant 0 : i32
      %dma_start3A_20 = arith.constant 0 : i32
      %dma_start3A_21 = tpu.memref_slice %arg3[%add3A, %dma_start3A_19, %dma_start3A_20] : memref<32x79x128xi32, #tpu.memory_space<hbm>> -> memref<1x79x128xi32, #tpu.memory_space<hbm>>
      %dma_start3A_22 = tpu.memref_squeeze %dma_start3A_21 : memref<1x79x128xi32, #tpu.memory_space<hbm>> -> memref<79x128xi32, #tpu.memory_space<hbm>>
      tpu.enqueue_dma source(%dma_start3A_22 : memref<79x128xi32, #tpu.memory_space<hbm>>) target(%arg6 : memref<79x128xi32, #tpu.memory_space<vmem>>) target_semaphore(%run_scoped3A : memref<!tpu.dma_semaphore, #tpu.memory_space<semaphore_mem>>)
      %dma_wait3A = arith.constant 0 : i32
      %dma_wait3A_23 = arith.constant 0 : i32
      %dma_wait3A_24 = tpu.memref_slice %arg3[%add3A, %dma_wait3A, %dma_wait3A_23] : memref<32x79x128xi32, #tpu.memory_space<hbm>> -> memref<1x79x128xi32, #tpu.memory_space<hbm>>
      %dma_wait3A_25 = tpu.memref_squeeze %dma_wait3A_24 : memref<1x79x128xi32, #tpu.memory_space<hbm>> -> memref<79x128xi32, #tpu.memory_space<hbm>>
      %dma_wait3A_26 = arith.constant 0 : i32
      %dma_wait3A_27 = arith.constant 0 : i32
      %dma_wait3A_28 = tpu.memref_slice %arg3[%add3A, %dma_wait3A_26, %dma_wait3A_27] : memref<32x79x128xi32, #tpu.memory_space<hbm>> -> memref<1x79x128xi32, #tpu.memory_space<hbm>>
      %dma_wait3A_29 = tpu.memref_squeeze %dma_wait3A_28 : memref<1x79x128xi32, #tpu.memory_space<hbm>> -> memref<79x128xi32, #tpu.memory_space<hbm>>
      tpu.wait_dma2 semaphore(%run_scoped3A : memref<!tpu.dma_semaphore, #tpu.memory_space<semaphore_mem>>) src(%dma_wait3A_29 : memref<79x128xi32, #tpu.memory_space<hbm>>) dst(%arg6 : memref<79x128xi32, #tpu.memory_space<vmem>>)
      tpu.yield
    }) : () -> ()
    "tpu.region"() ({
      %run_scoped3A = tpu.sem_alloc : memref<!tpu.dma_semaphore, #tpu.memory_space<semaphore_mem>>
      %dma_start3A = arith.constant 0 : i32
      %dma_start3A_16 = arith.constant 0 : i32
      %dma_start3A_17 = tpu.memref_slice %arg4[%add3A, %dma_start3A, %dma_start3A_16] : memref<32x79x128xi32, #tpu.memory_space<hbm>> -> memref<1x79x128xi32, #tpu.memory_space<hbm>>
      %dma_start3A_18 = tpu.memref_squeeze %dma_start3A_17 : memref<1x79x128xi32, #tpu.memory_space<hbm>> -> memref<79x128xi32, #tpu.memory_space<hbm>>
      %dma_start3A_19 = arith.constant 0 : i32
      %dma_start3A_20 = arith.constant 0 : i32
      %dma_start3A_21 = tpu.memref_slice %arg4[%add3A, %dma_start3A_19, %dma_start3A_20] : memref<32x79x128xi32, #tpu.memory_space<hbm>> -> memref<1x79x128xi32, #tpu.memory_space<hbm>>
      %dma_start3A_22 = tpu.memref_squeeze %dma_start3A_21 : memref<1x79x128xi32, #tpu.memory_space<hbm>> -> memref<79x128xi32, #tpu.memory_space<hbm>>
      tpu.enqueue_dma source(%dma_start3A_22 : memref<79x128xi32, #tpu.memory_space<hbm>>) target(%arg7 : memref<79x128xi32, #tpu.memory_space<vmem>>) target_semaphore(%run_scoped3A : memref<!tpu.dma_semaphore, #tpu.memory_space<semaphore_mem>>)
      %dma_wait3A = arith.constant 0 : i32
      %dma_wait3A_23 = arith.constant 0 : i32
      %dma_wait3A_24 = tpu.memref_slice %arg4[%add3A, %dma_wait3A, %dma_wait3A_23] : memref<32x79x128xi32, #tpu.memory_space<hbm>> -> memref<1x79x128xi32, #tpu.memory_space<hbm>>
      %dma_wait3A_25 = tpu.memref_squeeze %dma_wait3A_24 : memref<1x79x128xi32, #tpu.memory_space<hbm>> -> memref<79x128xi32, #tpu.memory_space<hbm>>
      %dma_wait3A_26 = arith.constant 0 : i32
      %dma_wait3A_27 = arith.constant 0 : i32
      %dma_wait3A_28 = tpu.memref_slice %arg4[%add3A, %dma_wait3A_26, %dma_wait3A_27] : memref<32x79x128xi32, #tpu.memory_space<hbm>> -> memref<1x79x128xi32, #tpu.memory_space<hbm>>
      %dma_wait3A_29 = tpu.memref_squeeze %dma_wait3A_28 : memref<1x79x128xi32, #tpu.memory_space<hbm>> -> memref<79x128xi32, #tpu.memory_space<hbm>>
      tpu.wait_dma2 semaphore(%run_scoped3A : memref<!tpu.dma_semaphore, #tpu.memory_space<semaphore_mem>>) src(%dma_wait3A_29 : memref<79x128xi32, #tpu.memory_space<hbm>>) dst(%arg7 : memref<79x128xi32, #tpu.memory_space<vmem>>)
      tpu.yield
    }) : () -> ()
    %scan3A = arith.constant 0 : i32
    %scan3A_1 = arith.constant 5 : i32
    %scan3A_2 = arith.addi %scan3A, %scan3A_1 : i32
    %scan3A_3 = arith.constant 1 : i32
    scf.for %scan3A_16 = %scan3A to %scan3A_2 step %scan3A_3  : i32 {
      %mul3A_17 = arith.constant 1 : i32
      %mul3A_18 = arith.muli %scan3A_16, %mul3A_17 : i32
      %add3A_19 = arith.constant 0 : i32
      %add3A_20 = arith.addi %add3A_19, %mul3A_18 : i32
      %mul3A_21 = arith.constant 640 : i32
      %mul3A_22 = arith.muli %arg1, %mul3A_21 : i32
      %mul3A_23 = arith.constant 128 : i32
      %mul3A_24 = arith.muli %add3A_20, %mul3A_23 : i32
      %add3A_25 = arith.addi %mul3A_22, %mul3A_24 : i32
      "tpu.region"() ({
        %run_scoped3A = tpu.sem_alloc : memref<!tpu.dma_semaphore, #tpu.memory_space<semaphore_mem>>
        %dma_start3A = arith.constant 0 : i32
        %dma_start3A_26 = tpu.memref_slice %arg2[%add3A_25, %dma_start3A] : memref<10240x128xf32, #tpu.memory_space<hbm>> -> memref<128x128xf32, #tpu.memory_space<hbm>>
        %dma_start3A_27 = arith.constant 0 : i32
        %dma_start3A_28 = tpu.memref_slice %arg2[%add3A_25, %dma_start3A_27] : memref<10240x128xf32, #tpu.memory_space<hbm>> -> memref<128x128xf32, #tpu.memory_space<hbm>>
        tpu.enqueue_dma source(%dma_start3A_28 : memref<128x128xf32, #tpu.memory_space<hbm>>) target(%arg8 : memref<128x128xf32, #tpu.memory_space<vmem>>) target_semaphore(%run_scoped3A : memref<!tpu.dma_semaphore, #tpu.memory_space<semaphore_mem>>)
        %dma_wait3A = arith.constant 0 : i32
        %dma_wait3A_29 = tpu.memref_slice %arg2[%add3A_25, %dma_wait3A] : memref<10240x128xf32, #tpu.memory_space<hbm>> -> memref<128x128xf32, #tpu.memory_space<hbm>>
        %dma_wait3A_30 = arith.constant 0 : i32
        %dma_wait3A_31 = tpu.memref_slice %arg2[%add3A_25, %dma_wait3A_30] : memref<10240x128xf32, #tpu.memory_space<hbm>> -> memref<128x128xf32, #tpu.memory_space<hbm>>
        tpu.wait_dma2 semaphore(%run_scoped3A : memref<!tpu.dma_semaphore, #tpu.memory_space<semaphore_mem>>) src(%dma_wait3A_31 : memref<128x128xf32, #tpu.memory_space<hbm>>) dst(%arg8 : memref<128x128xf32, #tpu.memory_space<vmem>>)
        tpu.yield
      }) : () -> ()
      "tpu.region"() ({
        %run_scoped3A = tpu.sem_alloc : memref<!tpu.dma_semaphore, #tpu.memory_space<semaphore_mem>>
        %dma_start3A = arith.constant 0 : i32
        %dma_start3A_26 = tpu.memref_slice %arg9[%add3A_25, %dma_start3A] : memref<10240x128xf32, #tpu.memory_space<vmem_shared>> -> memref<128x128xf32, #tpu.memory_space<vmem_shared>>
        %dma_start3A_27 = arith.constant 0 : i32
        %dma_start3A_28 = tpu.memref_slice %arg9[%add3A_25, %dma_start3A_27] : memref<10240x128xf32, #tpu.memory_space<vmem_shared>> -> memref<128x128xf32, #tpu.memory_space<vmem_shared>>
        tpu.enqueue_dma source(%arg8 : memref<128x128xf32, #tpu.memory_space<vmem>>) target(%dma_start3A_28 : memref<128x128xf32, #tpu.memory_space<vmem_shared>>) target_semaphore(%run_scoped3A : memref<!tpu.dma_semaphore, #tpu.memory_space<semaphore_mem>>)
        %dma_wait3A = arith.constant 0 : i32
        %dma_wait3A_29 = tpu.memref_slice %arg9[%add3A_25, %dma_wait3A] : memref<10240x128xf32, #tpu.memory_space<vmem_shared>> -> memref<128x128xf32, #tpu.memory_space<vmem_shared>>
        %dma_wait3A_30 = arith.constant 0 : i32
        %dma_wait3A_31 = tpu.memref_slice %arg9[%add3A_25, %dma_wait3A_30] : memref<10240x128xf32, #tpu.memory_space<vmem_shared>> -> memref<128x128xf32, #tpu.memory_space<vmem_shared>>
        tpu.wait_dma2 semaphore(%run_scoped3A : memref<!tpu.dma_semaphore, #tpu.memory_space<semaphore_mem>>) src(%arg8 : memref<128x128xf32, #tpu.memory_space<vmem>>) dst(%dma_wait3A_31 : memref<128x128xf32, #tpu.memory_space<vmem_shared>>)
        tpu.yield
      }) : () -> ()
    }
    %scan3A_4 = arith.constant 5 : i32
    %barrier3A = arith.constant 0 : index
    tpu.barrier barrier_id(%barrier3A)
    %scan3A_5 = arith.constant 0 : i32
    %scan3A_6 = arith.constant 79 : i32
    %scan3A_7 = arith.addi %scan3A_5, %scan3A_6 : i32
    %scan3A_8 = arith.constant 1 : i32
    scf.for %scan3A_16 = %scan3A_5 to %scan3A_7 step %scan3A_8  : i32 {
      %mul3A_17 = arith.constant 1 : i32
      %mul3A_18 = arith.muli %scan3A_16, %mul3A_17 : i32
      %add3A_19 = arith.constant 0 : i32
      %add3A_20 = arith.addi %add3A_19, %mul3A_18 : i32
      %dma_start3A = arith.constant 0 : i32
      %dma_start3A_21 = tpu.memref_slice %arg6[%add3A_20, %dma_start3A] : memref<79x128xi32, #tpu.memory_space<vmem>> -> memref<1x128xi32, #tpu.memory_space<vmem>>
      %dma_start3A_22 = tpu.memref_squeeze %dma_start3A_21 : memref<1x128xi32, #tpu.memory_space<vmem>> -> memref<128xi32, #tpu.memory_space<vmem>>
      %dma_start3A_23 = arith.constant 0 : i32
      %dma_start3A_24 = arith.constant 0 : i32
      %dma_start3A_25 = tpu.memref_slice %arg2[%dma_start3A_23, %dma_start3A_24] : memref<10240x128xf32, #tpu.memory_space<hbm>> -> memref<10240x128xf32, #tpu.memory_space<hbm>>
      tpu.enqueue_indirect_dma source(%dma_start3A_25 : memref<10240x128xf32, #tpu.memory_space<hbm>>) target(%arg8 : memref<128x128xf32, #tpu.memory_space<vmem>>) offsets(%dma_start3A_22 : memref<128xi32, #tpu.memory_space<vmem>>) semaphore(%arg10 : memref<!tpu.dma_semaphore, #tpu.memory_space<semaphore_mem>>)
      %dma_wait3A = arith.constant 0 : i32
      %dma_wait3A_26 = tpu.memref_slice %arg6[%add3A_20, %dma_wait3A] : memref<79x128xi32, #tpu.memory_space<vmem>> -> memref<1x128xi32, #tpu.memory_space<vmem>>
      %dma_wait3A_27 = tpu.memref_squeeze %dma_wait3A_26 : memref<1x128xi32, #tpu.memory_space<vmem>> -> memref<128xi32, #tpu.memory_space<vmem>>
      %dma_wait3A_28 = arith.constant 0 : i32
      %dma_wait3A_29 = arith.constant 0 : i32
      %dma_wait3A_30 = tpu.memref_slice %arg2[%dma_wait3A_28, %dma_wait3A_29] : memref<10240x128xf32, #tpu.memory_space<hbm>> -> memref<10240x128xf32, #tpu.memory_space<hbm>>
      tpu.wait_indirect_dma semaphore(%arg10 : memref<!tpu.dma_semaphore, #tpu.memory_space<semaphore_mem>>) src(%dma_wait3A_30 : memref<10240x128xf32, #tpu.memory_space<hbm>>) dst(%arg8 : memref<128x128xf32, #tpu.memory_space<vmem>>)
      "tpu.region"() ({
        %run_scoped3A = tpu.sem_alloc : memref<!tpu.dma_semaphore, #tpu.memory_space<semaphore_mem>>
        %dma_start3A_31 = arith.constant 0 : i32
        %dma_start3A_32 = tpu.memref_slice %arg7[%add3A_20, %dma_start3A_31] : memref<79x128xi32, #tpu.memory_space<vmem>> -> memref<1x128xi32, #tpu.memory_space<vmem>>
        %dma_start3A_33 = tpu.memref_squeeze %dma_start3A_32 : memref<1x128xi32, #tpu.memory_space<vmem>> -> memref<128xi32, #tpu.memory_space<vmem>>
        %dma_start3A_34 = arith.constant 0 : i32
        %dma_start3A_35 = arith.constant 0 : i32
        %dma_start3A_36 = tpu.memref_slice %arg9[%dma_start3A_34, %dma_start3A_35] : memref<10240x128xf32, #tpu.memory_space<vmem_shared>> -> memref<10240x128xf32, #tpu.memory_space<vmem_shared>>
        tpu.enqueue_indirect_dma source(%arg8 : memref<128x128xf32, #tpu.memory_space<vmem>>) target(%dma_start3A_36 : memref<10240x128xf32, #tpu.memory_space<vmem_shared>>) offsets(%dma_start3A_33 : memref<128xi32, #tpu.memory_space<vmem>>) semaphore(%run_scoped3A : memref<!tpu.dma_semaphore, #tpu.memory_space<semaphore_mem>>) {add = true}
        %dma_wait3A_37 = arith.constant 0 : i32
        %dma_wait3A_38 = tpu.memref_slice %arg7[%add3A_20, %dma_wait3A_37] : memref<79x128xi32, #tpu.memory_space<vmem>> -> memref<1x128xi32, #tpu.memory_space<vmem>>
        %dma_wait3A_39 = tpu.memref_squeeze %dma_wait3A_38 : memref<1x128xi32, #tpu.memory_space<vmem>> -> memref<128xi32, #tpu.memory_space<vmem>>
        %dma_wait3A_40 = arith.constant 0 : i32
        %dma_wait3A_41 = arith.constant 0 : i32
        %dma_wait3A_42 = tpu.memref_slice %arg9[%dma_wait3A_40, %dma_wait3A_41] : memref<10240x128xf32, #tpu.memory_space<vmem_shared>> -> memref<10240x128xf32, #tpu.memory_space<vmem_shared>>
        tpu.wait_indirect_dma semaphore(%run_scoped3A : memref<!tpu.dma_semaphore, #tpu.memory_space<semaphore_mem>>) src(%arg8 : memref<128x128xf32, #tpu.memory_space<vmem>>) dst(%dma_wait3A_42 : memref<10240x128xf32, #tpu.memory_space<vmem_shared>>)
        tpu.yield
      }) : () -> ()
    }
    %scan3A_9 = arith.constant 79 : i32
    %barrier3A_10 = arith.constant 0 : index
    tpu.barrier barrier_id(%barrier3A_10)
    %scan3A_11 = arith.constant 0 : i32
    %scan3A_12 = arith.constant 5 : i32
    %scan3A_13 = arith.addi %scan3A_11, %scan3A_12 : i32
    %scan3A_14 = arith.constant 1 : i32
    scf.for %scan3A_16 = %scan3A_11 to %scan3A_13 step %scan3A_14  : i32 {
      %mul3A_17 = arith.constant 1 : i32
      %mul3A_18 = arith.muli %scan3A_16, %mul3A_17 : i32
      %add3A_19 = arith.constant 0 : i32
      %add3A_20 = arith.addi %add3A_19, %mul3A_18 : i32
      %mul3A_21 = arith.constant 640 : i32
      %mul3A_22 = arith.muli %arg1, %mul3A_21 : i32
      %mul3A_23 = arith.constant 128 : i32
      %mul3A_24 = arith.muli %add3A_20, %mul3A_23 : i32
      %add3A_25 = arith.addi %mul3A_22, %mul3A_24 : i32
      "tpu.region"() ({
        %run_scoped3A = tpu.sem_alloc : memref<!tpu.dma_semaphore, #tpu.memory_space<semaphore_mem>>
        %dma_start3A = arith.constant 0 : i32
        %dma_start3A_26 = tpu.memref_slice %arg9[%add3A_25, %dma_start3A] : memref<10240x128xf32, #tpu.memory_space<vmem_shared>> -> memref<128x128xf32, #tpu.memory_space<vmem_shared>>
        %dma_start3A_27 = arith.constant 0 : i32
        %dma_start3A_28 = tpu.memref_slice %arg9[%add3A_25, %dma_start3A_27] : memref<10240x128xf32, #tpu.memory_space<vmem_shared>> -> memref<128x128xf32, #tpu.memory_space<vmem_shared>>
        tpu.enqueue_dma source(%dma_start3A_28 : memref<128x128xf32, #tpu.memory_space<vmem_shared>>) target(%arg8 : memref<128x128xf32, #tpu.memory_space<vmem>>) target_semaphore(%run_scoped3A : memref<!tpu.dma_semaphore, #tpu.memory_space<semaphore_mem>>)
        %dma_wait3A = arith.constant 0 : i32
        %dma_wait3A_29 = tpu.memref_slice %arg9[%add3A_25, %dma_wait3A] : memref<10240x128xf32, #tpu.memory_space<vmem_shared>> -> memref<128x128xf32, #tpu.memory_space<vmem_shared>>
        %dma_wait3A_30 = arith.constant 0 : i32
        %dma_wait3A_31 = tpu.memref_slice %arg9[%add3A_25, %dma_wait3A_30] : memref<10240x128xf32, #tpu.memory_space<vmem_shared>> -> memref<128x128xf32, #tpu.memory_space<vmem_shared>>
        tpu.wait_dma2 semaphore(%run_scoped3A : memref<!tpu.dma_semaphore, #tpu.memory_space<semaphore_mem>>) src(%dma_wait3A_31 : memref<128x128xf32, #tpu.memory_space<vmem_shared>>) dst(%arg8 : memref<128x128xf32, #tpu.memory_space<vmem>>)
        tpu.yield
      }) : () -> ()
      "tpu.region"() ({
        %run_scoped3A = tpu.sem_alloc : memref<!tpu.dma_semaphore, #tpu.memory_space<semaphore_mem>>
        %dma_start3A = arith.constant 0 : i32
        %dma_start3A_26 = tpu.memref_slice %arg5[%arg0, %add3A_25, %dma_start3A] : memref<2x10240x128xf32, #tpu.memory_space<hbm>> -> memref<1x128x128xf32, #tpu.memory_space<hbm>>
        %dma_start3A_27 = tpu.memref_squeeze %dma_start3A_26 : memref<1x128x128xf32, #tpu.memory_space<hbm>> -> memref<128x128xf32, #tpu.memory_space<hbm>>
        %dma_start3A_28 = arith.constant 0 : i32
        %dma_start3A_29 = tpu.memref_slice %arg5[%arg0, %add3A_25, %dma_start3A_28] : memref<2x10240x128xf32, #tpu.memory_space<hbm>> -> memref<1x128x128xf32, #tpu.memory_space<hbm>>
        %dma_start3A_30 = tpu.memref_squeeze %dma_start3A_29 : memref<1x128x128xf32, #tpu.memory_space<hbm>> -> memref<128x128xf32, #tpu.memory_space<hbm>>
        tpu.enqueue_dma source(%arg8 : memref<128x128xf32, #tpu.memory_space<vmem>>) target(%dma_start3A_30 : memref<128x128xf32, #tpu.memory_space<hbm>>) target_semaphore(%run_scoped3A : memref<!tpu.dma_semaphore, #tpu.memory_space<semaphore_mem>>)
        %dma_wait3A = arith.constant 0 : i32
        %dma_wait3A_31 = tpu.memref_slice %arg5[%arg0, %add3A_25, %dma_wait3A] : memref<2x10240x128xf32, #tpu.memory_space<hbm>> -> memref<1x128x128xf32, #tpu.memory_space<hbm>>
        %dma_wait3A_32 = tpu.memref_squeeze %dma_wait3A_31 : memref<1x128x128xf32, #tpu.memory_space<hbm>> -> memref<128x128xf32, #tpu.memory_space<hbm>>
        %dma_wait3A_33 = arith.constant 0 : i32
        %dma_wait3A_34 = tpu.memref_slice %arg5[%arg0, %add3A_25, %dma_wait3A_33] : memref<2x10240x128xf32, #tpu.memory_space<hbm>> -> memref<1x128x128xf32, #tpu.memory_space<hbm>>
        %dma_wait3A_35 = tpu.memref_squeeze %dma_wait3A_34 : memref<1x128x128xf32, #tpu.memory_space<hbm>> -> memref<128x128xf32, #tpu.memory_space<hbm>>
        tpu.wait_dma2 semaphore(%run_scoped3A : memref<!tpu.dma_semaphore, #tpu.memory_space<semaphore_mem>>) src(%arg8 : memref<128x128xf32, #tpu.memory_space<vmem>>) dst(%dma_wait3A_35 : memref<128x128xf32, #tpu.memory_space<hbm>>)
        tpu.yield
      }) : () -> ()
    }
    %scan3A_15 = arith.constant 5 : i32
    return
  }
}

#map = affine_map<(d0, d1) -> (0, 0)>
#map1 = affine_map<(d0, d1) -> (0, 0, 0)>
module attributes {stable_mosaic.version = 14 : i64} {
  func.func @_agg_body(%arg0: i32, %arg1: i32, %arg2: memref<10240x128xf32, #tpu.memory_space<hbm>>, %arg3: memref<32x79x128xi32, #tpu.memory_space<hbm>>, %arg4: memref<32x79x128xi32, #tpu.memory_space<hbm>>, %arg5: memref<2x10240x128xf32, #tpu.memory_space<hbm>>, %arg6: memref<79x128xi32, #tpu.memory_space<vmem>>, %arg7: memref<79x128xi32, #tpu.memory_space<vmem>>, %arg8: memref<128x128xf32, #tpu.memory_space<vmem>>, %arg9: memref<10240x128xf32, #tpu.memory_space<vmem_shared>>, %arg10: memref<!tpu.dma_semaphore, #tpu.memory_space<semaphore_mem>>) attributes {dimension_semantics = [#tpu.dimension_semantics<core_parallel>, #tpu.dimension_semantics<subcore_parallel>], iteration_bounds = array<i64: 2, 16>, scalar_prefetch = 0 : i64, scratch_operands = 5 : i64, tpu.core_type = #tpu.core_type<sc_vector_subcore>, window_params = [{transform_indices = #map}, {transform_indices = #map1}, {transform_indices = #map1}, {transform_indices = #map1}]} {
    %mul3A = arith.constant 2 : i32
    %mul3A_0 = arith.muli %arg1, %mul3A : i32
    %add3A = arith.addi %mul3A_0, %arg0 : i32
    "tpu.region"() ({
      %run_scoped3A = tpu.sem_alloc : memref<!tpu.dma_semaphore, #tpu.memory_space<semaphore_mem>>
      %dma_start3A = arith.constant 0 : i32
      %dma_start3A_16 = arith.constant 0 : i32
      %dma_start3A_17 = tpu.memref_slice %arg3[%add3A, %dma_start3A, %dma_start3A_16] : memref<32x79x128xi32, #tpu.memory_space<hbm>> -> memref<1x79x128xi32, #tpu.memory_space<hbm>>
      %dma_start3A_18 = tpu.memref_squeeze %dma_start3A_17 : memref<1x79x128xi32, #tpu.memory_space<hbm>> -> memref<79x128xi32, #tpu.memory_space<hbm>>
      %dma_start3A_19 = arith.constant 0 : i32
      %dma_start3A_20 = arith.constant 0 : i32
      %dma_start3A_21 = tpu.memref_slice %arg3[%add3A, %dma_start3A_19, %dma_start3A_20] : memref<32x79x128xi32, #tpu.memory_space<hbm>> -> memref<1x79x128xi32, #tpu.memory_space<hbm>>
      %dma_start3A_22 = tpu.memref_squeeze %dma_start3A_21 : memref<1x79x128xi32, #tpu.memory_space<hbm>> -> memref<79x128xi32, #tpu.memory_space<hbm>>
      tpu.enqueue_dma source(%dma_start3A_22 : memref<79x128xi32, #tpu.memory_space<hbm>>) target(%arg6 : memref<79x128xi32, #tpu.memory_space<vmem>>) target_semaphore(%run_scoped3A : memref<!tpu.dma_semaphore, #tpu.memory_space<semaphore_mem>>)
      %dma_wait3A = arith.constant 0 : i32
      %dma_wait3A_23 = arith.constant 0 : i32
      %dma_wait3A_24 = tpu.memref_slice %arg3[%add3A, %dma_wait3A, %dma_wait3A_23] : memref<32x79x128xi32, #tpu.memory_space<hbm>> -> memref<1x79x128xi32, #tpu.memory_space<hbm>>
      %dma_wait3A_25 = tpu.memref_squeeze %dma_wait3A_24 : memref<1x79x128xi32, #tpu.memory_space<hbm>> -> memref<79x128xi32, #tpu.memory_space<hbm>>
      %dma_wait3A_26 = arith.constant 0 : i32
      %dma_wait3A_27 = arith.constant 0 : i32
      %dma_wait3A_28 = tpu.memref_slice %arg3[%add3A, %dma_wait3A_26, %dma_wait3A_27] : memref<32x79x128xi32, #tpu.memory_space<hbm>> -> memref<1x79x128xi32, #tpu.memory_space<hbm>>
      %dma_wait3A_29 = tpu.memref_squeeze %dma_wait3A_28 : memref<1x79x128xi32, #tpu.memory_space<hbm>> -> memref<79x128xi32, #tpu.memory_space<hbm>>
      tpu.wait_dma2 semaphore(%run_scoped3A : memref<!tpu.dma_semaphore, #tpu.memory_space<semaphore_mem>>) src(%dma_wait3A_29 : memref<79x128xi32, #tpu.memory_space<hbm>>) dst(%arg6 : memref<79x128xi32, #tpu.memory_space<vmem>>)
      tpu.yield
    }) : () -> ()
    "tpu.region"() ({
      %run_scoped3A = tpu.sem_alloc : memref<!tpu.dma_semaphore, #tpu.memory_space<semaphore_mem>>
      %dma_start3A = arith.constant 0 : i32
      %dma_start3A_16 = arith.constant 0 : i32
      %dma_start3A_17 = tpu.memref_slice %arg4[%add3A, %dma_start3A, %dma_start3A_16] : memref<32x79x128xi32, #tpu.memory_space<hbm>> -> memref<1x79x128xi32, #tpu.memory_space<hbm>>
      %dma_start3A_18 = tpu.memref_squeeze %dma_start3A_17 : memref<1x79x128xi32, #tpu.memory_space<hbm>> -> memref<79x128xi32, #tpu.memory_space<hbm>>
      %dma_start3A_19 = arith.constant 0 : i32
      %dma_start3A_20 = arith.constant 0 : i32
      %dma_start3A_21 = tpu.memref_slice %arg4[%add3A, %dma_start3A_19, %dma_start3A_20] : memref<32x79x128xi32, #tpu.memory_space<hbm>> -> memref<1x79x128xi32, #tpu.memory_space<hbm>>
      %dma_start3A_22 = tpu.memref_squeeze %dma_start3A_21 : memref<1x79x128xi32, #tpu.memory_space<hbm>> -> memref<79x128xi32, #tpu.memory_space<hbm>>
      tpu.enqueue_dma source(%dma_start3A_22 : memref<79x128xi32, #tpu.memory_space<hbm>>) target(%arg7 : memref<79x128xi32, #tpu.memory_space<vmem>>) target_semaphore(%run_scoped3A : memref<!tpu.dma_semaphore, #tpu.memory_space<semaphore_mem>>)
      %dma_wait3A = arith.constant 0 : i32
      %dma_wait3A_23 = arith.constant 0 : i32
      %dma_wait3A_24 = tpu.memref_slice %arg4[%add3A, %dma_wait3A, %dma_wait3A_23] : memref<32x79x128xi32, #tpu.memory_space<hbm>> -> memref<1x79x128xi32, #tpu.memory_space<hbm>>
      %dma_wait3A_25 = tpu.memref_squeeze %dma_wait3A_24 : memref<1x79x128xi32, #tpu.memory_space<hbm>> -> memref<79x128xi32, #tpu.memory_space<hbm>>
      %dma_wait3A_26 = arith.constant 0 : i32
      %dma_wait3A_27 = arith.constant 0 : i32
      %dma_wait3A_28 = tpu.memref_slice %arg4[%add3A, %dma_wait3A_26, %dma_wait3A_27] : memref<32x79x128xi32, #tpu.memory_space<hbm>> -> memref<1x79x128xi32, #tpu.memory_space<hbm>>
      %dma_wait3A_29 = tpu.memref_squeeze %dma_wait3A_28 : memref<1x79x128xi32, #tpu.memory_space<hbm>> -> memref<79x128xi32, #tpu.memory_space<hbm>>
      tpu.wait_dma2 semaphore(%run_scoped3A : memref<!tpu.dma_semaphore, #tpu.memory_space<semaphore_mem>>) src(%dma_wait3A_29 : memref<79x128xi32, #tpu.memory_space<hbm>>) dst(%arg7 : memref<79x128xi32, #tpu.memory_space<vmem>>)
      tpu.yield
    }) : () -> ()
    %scan3A = arith.constant 0 : i32
    %scan3A_1 = arith.constant 5 : i32
    %scan3A_2 = arith.addi %scan3A, %scan3A_1 : i32
    %scan3A_3 = arith.constant 1 : i32
    scf.for %scan3A_16 = %scan3A to %scan3A_2 step %scan3A_3  : i32 {
      %mul3A_17 = arith.constant 1 : i32
      %mul3A_18 = arith.muli %scan3A_16, %mul3A_17 : i32
      %add3A_19 = arith.constant 0 : i32
      %add3A_20 = arith.addi %add3A_19, %mul3A_18 : i32
      %mul3A_21 = arith.constant 640 : i32
      %mul3A_22 = arith.muli %arg1, %mul3A_21 : i32
      %mul3A_23 = arith.constant 128 : i32
      %mul3A_24 = arith.muli %add3A_20, %mul3A_23 : i32
      %add3A_25 = arith.addi %mul3A_22, %mul3A_24 : i32
      "tpu.region"() ({
        %run_scoped3A = tpu.sem_alloc : memref<!tpu.dma_semaphore, #tpu.memory_space<semaphore_mem>>
        %dma_start3A = arith.constant 0 : i32
        %dma_start3A_26 = tpu.memref_slice %arg2[%add3A_25, %dma_start3A] : memref<10240x128xf32, #tpu.memory_space<hbm>> -> memref<128x128xf32, #tpu.memory_space<hbm>>
        %dma_start3A_27 = arith.constant 0 : i32
        %dma_start3A_28 = tpu.memref_slice %arg2[%add3A_25, %dma_start3A_27] : memref<10240x128xf32, #tpu.memory_space<hbm>> -> memref<128x128xf32, #tpu.memory_space<hbm>>
        tpu.enqueue_dma source(%dma_start3A_28 : memref<128x128xf32, #tpu.memory_space<hbm>>) target(%arg8 : memref<128x128xf32, #tpu.memory_space<vmem>>) target_semaphore(%run_scoped3A : memref<!tpu.dma_semaphore, #tpu.memory_space<semaphore_mem>>)
        %dma_wait3A = arith.constant 0 : i32
        %dma_wait3A_29 = tpu.memref_slice %arg2[%add3A_25, %dma_wait3A] : memref<10240x128xf32, #tpu.memory_space<hbm>> -> memref<128x128xf32, #tpu.memory_space<hbm>>
        %dma_wait3A_30 = arith.constant 0 : i32
        %dma_wait3A_31 = tpu.memref_slice %arg2[%add3A_25, %dma_wait3A_30] : memref<10240x128xf32, #tpu.memory_space<hbm>> -> memref<128x128xf32, #tpu.memory_space<hbm>>
        tpu.wait_dma2 semaphore(%run_scoped3A : memref<!tpu.dma_semaphore, #tpu.memory_space<semaphore_mem>>) src(%dma_wait3A_31 : memref<128x128xf32, #tpu.memory_space<hbm>>) dst(%arg8 : memref<128x128xf32, #tpu.memory_space<vmem>>)
        tpu.yield
      }) : () -> ()
      "tpu.region"() ({
        %run_scoped3A = tpu.sem_alloc : memref<!tpu.dma_semaphore, #tpu.memory_space<semaphore_mem>>
        %dma_start3A = arith.constant 0 : i32
        %dma_start3A_26 = tpu.memref_slice %arg9[%add3A_25, %dma_start3A] : memref<10240x128xf32, #tpu.memory_space<vmem_shared>> -> memref<128x128xf32, #tpu.memory_space<vmem_shared>>
        %dma_start3A_27 = arith.constant 0 : i32
        %dma_start3A_28 = tpu.memref_slice %arg9[%add3A_25, %dma_start3A_27] : memref<10240x128xf32, #tpu.memory_space<vmem_shared>> -> memref<128x128xf32, #tpu.memory_space<vmem_shared>>
        tpu.enqueue_dma source(%arg8 : memref<128x128xf32, #tpu.memory_space<vmem>>) target(%dma_start3A_28 : memref<128x128xf32, #tpu.memory_space<vmem_shared>>) target_semaphore(%run_scoped3A : memref<!tpu.dma_semaphore, #tpu.memory_space<semaphore_mem>>)
        %dma_wait3A = arith.constant 0 : i32
        %dma_wait3A_29 = tpu.memref_slice %arg9[%add3A_25, %dma_wait3A] : memref<10240x128xf32, #tpu.memory_space<vmem_shared>> -> memref<128x128xf32, #tpu.memory_space<vmem_shared>>
        %dma_wait3A_30 = arith.constant 0 : i32
        %dma_wait3A_31 = tpu.memref_slice %arg9[%add3A_25, %dma_wait3A_30] : memref<10240x128xf32, #tpu.memory_space<vmem_shared>> -> memref<128x128xf32, #tpu.memory_space<vmem_shared>>
        tpu.wait_dma2 semaphore(%run_scoped3A : memref<!tpu.dma_semaphore, #tpu.memory_space<semaphore_mem>>) src(%arg8 : memref<128x128xf32, #tpu.memory_space<vmem>>) dst(%dma_wait3A_31 : memref<128x128xf32, #tpu.memory_space<vmem_shared>>)
        tpu.yield
      }) : () -> ()
    }
    %scan3A_4 = arith.constant 5 : i32
    %barrier3A = arith.constant 0 : index
    tpu.barrier barrier_id(%barrier3A)
    %scan3A_5 = arith.constant 0 : i32
    %scan3A_6 = arith.constant 79 : i32
    %scan3A_7 = arith.addi %scan3A_5, %scan3A_6 : i32
    %scan3A_8 = arith.constant 1 : i32
    scf.for %scan3A_16 = %scan3A_5 to %scan3A_7 step %scan3A_8  : i32 {
      %mul3A_17 = arith.constant 1 : i32
      %mul3A_18 = arith.muli %scan3A_16, %mul3A_17 : i32
      %add3A_19 = arith.constant 0 : i32
      %add3A_20 = arith.addi %add3A_19, %mul3A_18 : i32
      %dma_start3A = arith.constant 0 : i32
      %dma_start3A_21 = tpu.memref_slice %arg6[%add3A_20, %dma_start3A] : memref<79x128xi32, #tpu.memory_space<vmem>> -> memref<1x128xi32, #tpu.memory_space<vmem>>
      %dma_start3A_22 = tpu.memref_squeeze %dma_start3A_21 : memref<1x128xi32, #tpu.memory_space<vmem>> -> memref<128xi32, #tpu.memory_space<vmem>>
      %dma_start3A_23 = arith.constant 0 : i32
      %dma_start3A_24 = arith.constant 0 : i32
      %dma_start3A_25 = tpu.memref_slice %arg2[%dma_start3A_23, %dma_start3A_24] : memref<10240x128xf32, #tpu.memory_space<hbm>> -> memref<10240x128xf32, #tpu.memory_space<hbm>>
      tpu.enqueue_indirect_dma source(%dma_start3A_25 : memref<10240x128xf32, #tpu.memory_space<hbm>>) target(%arg8 : memref<128x128xf32, #tpu.memory_space<vmem>>) offsets(%dma_start3A_22 : memref<128xi32, #tpu.memory_space<vmem>>) semaphore(%arg10 : memref<!tpu.dma_semaphore, #tpu.memory_space<semaphore_mem>>)
      %dma_wait3A = arith.constant 0 : i32
      %dma_wait3A_26 = tpu.memref_slice %arg6[%add3A_20, %dma_wait3A] : memref<79x128xi32, #tpu.memory_space<vmem>> -> memref<1x128xi32, #tpu.memory_space<vmem>>
      %dma_wait3A_27 = tpu.memref_squeeze %dma_wait3A_26 : memref<1x128xi32, #tpu.memory_space<vmem>> -> memref<128xi32, #tpu.memory_space<vmem>>
      %dma_wait3A_28 = arith.constant 0 : i32
      %dma_wait3A_29 = arith.constant 0 : i32
      %dma_wait3A_30 = tpu.memref_slice %arg2[%dma_wait3A_28, %dma_wait3A_29] : memref<10240x128xf32, #tpu.memory_space<hbm>> -> memref<10240x128xf32, #tpu.memory_space<hbm>>
      tpu.wait_indirect_dma semaphore(%arg10 : memref<!tpu.dma_semaphore, #tpu.memory_space<semaphore_mem>>) src(%dma_wait3A_30 : memref<10240x128xf32, #tpu.memory_space<hbm>>) dst(%arg8 : memref<128x128xf32, #tpu.memory_space<vmem>>)
      "tpu.region"() ({
        %run_scoped3A = tpu.sem_alloc : memref<!tpu.dma_semaphore, #tpu.memory_space<semaphore_mem>>
        %dma_start3A_31 = arith.constant 0 : i32
        %dma_start3A_32 = tpu.memref_slice %arg7[%add3A_20, %dma_start3A_31] : memref<79x128xi32, #tpu.memory_space<vmem>> -> memref<1x128xi32, #tpu.memory_space<vmem>>
        %dma_start3A_33 = tpu.memref_squeeze %dma_start3A_32 : memref<1x128xi32, #tpu.memory_space<vmem>> -> memref<128xi32, #tpu.memory_space<vmem>>
        %dma_start3A_34 = arith.constant 0 : i32
        %dma_start3A_35 = arith.constant 0 : i32
        %dma_start3A_36 = tpu.memref_slice %arg9[%dma_start3A_34, %dma_start3A_35] : memref<10240x128xf32, #tpu.memory_space<vmem_shared>> -> memref<10240x128xf32, #tpu.memory_space<vmem_shared>>
        tpu.enqueue_indirect_dma source(%arg8 : memref<128x128xf32, #tpu.memory_space<vmem>>) target(%dma_start3A_36 : memref<10240x128xf32, #tpu.memory_space<vmem_shared>>) offsets(%dma_start3A_33 : memref<128xi32, #tpu.memory_space<vmem>>) semaphore(%run_scoped3A : memref<!tpu.dma_semaphore, #tpu.memory_space<semaphore_mem>>) {add = true}
        %dma_wait3A_37 = arith.constant 0 : i32
        %dma_wait3A_38 = tpu.memref_slice %arg7[%add3A_20, %dma_wait3A_37] : memref<79x128xi32, #tpu.memory_space<vmem>> -> memref<1x128xi32, #tpu.memory_space<vmem>>
        %dma_wait3A_39 = tpu.memref_squeeze %dma_wait3A_38 : memref<1x128xi32, #tpu.memory_space<vmem>> -> memref<128xi32, #tpu.memory_space<vmem>>
        %dma_wait3A_40 = arith.constant 0 : i32
        %dma_wait3A_41 = arith.constant 0 : i32
        %dma_wait3A_42 = tpu.memref_slice %arg9[%dma_wait3A_40, %dma_wait3A_41] : memref<10240x128xf32, #tpu.memory_space<vmem_shared>> -> memref<10240x128xf32, #tpu.memory_space<vmem_shared>>
        tpu.wait_indirect_dma semaphore(%run_scoped3A : memref<!tpu.dma_semaphore, #tpu.memory_space<semaphore_mem>>) src(%arg8 : memref<128x128xf32, #tpu.memory_space<vmem>>) dst(%dma_wait3A_42 : memref<10240x128xf32, #tpu.memory_space<vmem_shared>>)
        tpu.yield
      }) : () -> ()
    }
    %scan3A_9 = arith.constant 79 : i32
    %barrier3A_10 = arith.constant 0 : index
    tpu.barrier barrier_id(%barrier3A_10)
    %scan3A_11 = arith.constant 0 : i32
    %scan3A_12 = arith.constant 5 : i32
    %scan3A_13 = arith.addi %scan3A_11, %scan3A_12 : i32
    %scan3A_14 = arith.constant 1 : i32
    scf.for %scan3A_16 = %scan3A_11 to %scan3A_13 step %scan3A_14  : i32 {
      %mul3A_17 = arith.constant 1 : i32
      %mul3A_18 = arith.muli %scan3A_16, %mul3A_17 : i32
      %add3A_19 = arith.constant 0 : i32
      %add3A_20 = arith.addi %add3A_19, %mul3A_18 : i32
      %mul3A_21 = arith.constant 640 : i32
      %mul3A_22 = arith.muli %arg1, %mul3A_21 : i32
      %mul3A_23 = arith.constant 128 : i32
      %mul3A_24 = arith.muli %add3A_20, %mul3A_23 : i32
      %add3A_25 = arith.addi %mul3A_22, %mul3A_24 : i32
      "tpu.region"() ({
        %run_scoped3A = tpu.sem_alloc : memref<!tpu.dma_semaphore, #tpu.memory_space<semaphore_mem>>
        %dma_start3A = arith.constant 0 : i32
        %dma_start3A_26 = tpu.memref_slice %arg9[%add3A_25, %dma_start3A] : memref<10240x128xf32, #tpu.memory_space<vmem_shared>> -> memref<128x128xf32, #tpu.memory_space<vmem_shared>>
        %dma_start3A_27 = arith.constant 0 : i32
        %dma_start3A_28 = tpu.memref_slice %arg9[%add3A_25, %dma_start3A_27] : memref<10240x128xf32, #tpu.memory_space<vmem_shared>> -> memref<128x128xf32, #tpu.memory_space<vmem_shared>>
        tpu.enqueue_dma source(%dma_start3A_28 : memref<128x128xf32, #tpu.memory_space<vmem_shared>>) target(%arg8 : memref<128x128xf32, #tpu.memory_space<vmem>>) target_semaphore(%run_scoped3A : memref<!tpu.dma_semaphore, #tpu.memory_space<semaphore_mem>>)
        %dma_wait3A = arith.constant 0 : i32
        %dma_wait3A_29 = tpu.memref_slice %arg9[%add3A_25, %dma_wait3A] : memref<10240x128xf32, #tpu.memory_space<vmem_shared>> -> memref<128x128xf32, #tpu.memory_space<vmem_shared>>
        %dma_wait3A_30 = arith.constant 0 : i32
        %dma_wait3A_31 = tpu.memref_slice %arg9[%add3A_25, %dma_wait3A_30] : memref<10240x128xf32, #tpu.memory_space<vmem_shared>> -> memref<128x128xf32, #tpu.memory_space<vmem_shared>>
        tpu.wait_dma2 semaphore(%run_scoped3A : memref<!tpu.dma_semaphore, #tpu.memory_space<semaphore_mem>>) src(%dma_wait3A_31 : memref<128x128xf32, #tpu.memory_space<vmem_shared>>) dst(%arg8 : memref<128x128xf32, #tpu.memory_space<vmem>>)
        tpu.yield
      }) : () -> ()
      "tpu.region"() ({
        %run_scoped3A = tpu.sem_alloc : memref<!tpu.dma_semaphore, #tpu.memory_space<semaphore_mem>>
        %dma_start3A = arith.constant 0 : i32
        %dma_start3A_26 = tpu.memref_slice %arg5[%arg0, %add3A_25, %dma_start3A] : memref<2x10240x128xf32, #tpu.memory_space<hbm>> -> memref<1x128x128xf32, #tpu.memory_space<hbm>>
        %dma_start3A_27 = tpu.memref_squeeze %dma_start3A_26 : memref<1x128x128xf32, #tpu.memory_space<hbm>> -> memref<128x128xf32, #tpu.memory_space<hbm>>
        %dma_start3A_28 = arith.constant 0 : i32
        %dma_start3A_29 = tpu.memref_slice %arg5[%arg0, %add3A_25, %dma_start3A_28] : memref<2x10240x128xf32, #tpu.memory_space<hbm>> -> memref<1x128x128xf32, #tpu.memory_space<hbm>>
        %dma_start3A_30 = tpu.memref_squeeze %dma_start3A_29 : memref<1x128x128xf32, #tpu.memory_space<hbm>> -> memref<128x128xf32, #tpu.memory_space<hbm>>
        tpu.enqueue_dma source(%arg8 : memref<128x128xf32, #tpu.memory_space<vmem>>) target(%dma_start3A_30 : memref<128x128xf32, #tpu.memory_space<hbm>>) target_semaphore(%run_scoped3A : memref<!tpu.dma_semaphore, #tpu.memory_space<semaphore_mem>>)
        %dma_wait3A = arith.constant 0 : i32
        %dma_wait3A_31 = tpu.memref_slice %arg5[%arg0, %add3A_25, %dma_wait3A] : memref<2x10240x128xf32, #tpu.memory_space<hbm>> -> memref<1x128x128xf32, #tpu.memory_space<hbm>>
        %dma_wait3A_32 = tpu.memref_squeeze %dma_wait3A_31 : memref<1x128x128xf32, #tpu.memory_space<hbm>> -> memref<128x128xf32, #tpu.memory_space<hbm>>
        %dma_wait3A_33 = arith.constant 0 : i32
        %dma_wait3A_34 = tpu.memref_slice %arg5[%arg0, %add3A_25, %dma_wait3A_33] : memref<2x10240x128xf32, #tpu.memory_space<hbm>> -> memref<1x128x128xf32, #tpu.memory_space<hbm>>
        %dma_wait3A_35 = tpu.memref_squeeze %dma_wait3A_34 : memref<1x128x128xf32, #tpu.memory_space<hbm>> -> memref<128x128xf32, #tpu.memory_space<hbm>>
        tpu.wait_dma2 semaphore(%run_scoped3A : memref<!tpu.dma_semaphore, #tpu.memory_space<semaphore_mem>>) src(%arg8 : memref<128x128xf32, #tpu.memory_space<vmem>>) dst(%dma_wait3A_35 : memref<128x128xf32, #tpu.memory_space<hbm>>)
        tpu.yield
      }) : () -> ()
    }
    %scan3A_15 = arith.constant 5 : i32
    return
  }
}

module attributes {stable_mosaic.version = 14 : i64} {
  func.func @_t1_body(%arg0: i32, %arg1: memref<1024x128xf32, #tpu.memory_space<vmem>>, %arg2: memref<128x128xf32, #tpu.memory_space<vmem>>, %arg3: memref<2x1024x128xf32, #tpu.memory_space<vmem>>, %arg4: memref<1024x128xf32, #tpu.memory_space<vmem>>, %arg5: memref<1024x1xf32, #tpu.memory_space<vmem>>) attributes {dimension_semantics = [#tpu.dimension_semantics<arbitrary>], iteration_bounds = array<i64: 10>, scalar_prefetch = 0 : i64, scratch_operands = 0 : i64, tpu.core_type = #tpu.core_type<tc>, window_params = [{transform_indices = @transform_0, window_bounds = array<i64: 1024, 128>}, {pipeline_mode = #tpu.pipeline_mode<synchronous>, transform_indices = @transform_1, window_bounds = array<i64: 128, 128>}, {transform_indices = @transform_2, window_bounds = array<i64: 2, 1024, 128>}, {transform_indices = @transform_3, window_bounds = array<i64: 1024, 128>}, {transform_indices = @transform_4, window_bounds = array<i64: 1024, 1>}]} {
    %get3A = arith.constant 0 : index
    %get3A_0 = arith.constant 0 : index
    %get3A_1 = vector.load %arg1[%get3A, %get3A_0] : memref<1024x128xf32, #tpu.memory_space<vmem>>, vector<1024x128xf32>
    %mul3A = arith.mulf %get3A_1, %get3A_1 : vector<1024x128xf32>
    %reduce_sum3A = arith.constant dense<0.000000e+00> : vector<1024xf32>
    %reduce_sum3A_2 = vector.multi_reduction <add>, %mul3A, %reduce_sum3A [1] : vector<1024x128xf32> to vector<1024xf32>
    %broadcast_in_dim3A = vector.shape_cast %reduce_sum3A_2 : vector<1024xf32> to vector<1024x1xf32>
    %sqrt3A = math.sqrt %broadcast_in_dim3A : vector<1024x1xf32>
    %eq3A = arith.constant 0.000000e+00 : f32
    %eq3A_3 = vector.broadcast %eq3A : f32 to vector<1024x1xf32>
    %eq3A_4 = arith.cmpf oeq, %sqrt3A, %eq3A_3 : vector<1024x1xf32>
    %jit3A = arith.constant 9.99999993E-9 : f32
    %broadcast_in_dim3A_5 = vector.broadcast %jit3A : f32 to vector<1024x1xf32>
    %select_n3A = arith.select %eq3A_4, %broadcast_in_dim3A_5, %sqrt3A : vector<1024x1xi1>, vector<1024x1xf32>
    %div3A = vector.broadcast %select_n3A : vector<1024x1xf32> to vector<1024x128xf32>
    %div3A_6 = arith.divf %get3A_1, %div3A : vector<1024x128xf32>
    %get3A_7 = arith.constant 0 : index
    %get3A_8 = arith.constant 0 : index
    %get3A_9 = vector.load %arg2[%get3A_7, %get3A_8] : memref<128x128xf32, #tpu.memory_space<vmem>>, vector<128x128xf32>
    %dot_general3A = arith.constant dense<0.000000e+00> : vector<1024x128xf32>
    %dot_general3A_10 = tpu.matmul %div3A_6, %get3A_9, %dot_general3A {dimension_numbers = #tpu.dot_dimension_numbers<[1], [0], [0], [1], [0, 0, 1, 1], [], []>, transpose_lhs_hint = false} : vector<1024x128xf32>, vector<128x128xf32>, vector<1024x128xf32> -> vector<1024x128xf32>
    %get3A_11 = arith.constant 0 : index
    %get3A_12 = arith.constant 0 : index
    %get3A_13 = arith.constant 0 : index
    %get3A_14 = vector.load %arg3[%get3A_11, %get3A_12, %get3A_13] : memref<2x1024x128xf32, #tpu.memory_space<vmem>>, vector<2x1024x128xf32>
    %slice3A = vector.extract_strided_slice %get3A_14 {offsets = [0, 0, 0], sizes = [1, 1024, 1], strides = [1, 1, 1]} : vector<2x1024x128xf32> to vector<1x1024x1xf32>
    %squeeze3A = vector.shape_cast %slice3A : vector<1x1024x1xf32> to vector<1024x1xf32>
    %slice3A_15 = vector.extract_strided_slice %get3A_14 {offsets = [1, 0, 0], sizes = [1, 1024, 1], strides = [1, 1, 1]} : vector<2x1024x128xf32> to vector<1x1024x1xf32>
    %squeeze3A_16 = vector.shape_cast %slice3A_15 : vector<1x1024x1xf32> to vector<1024x1xf32>
    %add3A = arith.addf %squeeze3A, %squeeze3A_16 : vector<1024x1xf32>
    %add3A_17 = arith.constant 1.000000e+00 : f32
    %add3A_18 = vector.broadcast %add3A_17 : f32 to vector<1024x1xf32>
    %add3A_19 = arith.addf %add3A, %add3A_18 : vector<1024x1xf32>
    %rsqrt3A = math.rsqrt %add3A_19 : vector<1024x1xf32>
    %mul3A_20 = vector.broadcast %rsqrt3A : vector<1024x1xf32> to vector<1024x128xf32>
    %mul3A_21 = arith.mulf %dot_general3A_10, %mul3A_20 : vector<1024x128xf32>
    %swap3A = arith.constant 0 : index
    %swap3A_22 = arith.constant 0 : index
    %swap3A_23 = vector.load %arg4[%swap3A, %swap3A_22] : memref<1024x128xf32, #tpu.memory_space<vmem>>, vector<1024x128xf32>
    tpu.vector_store %arg4[%swap3A, %swap3A_22], %mul3A_21 {strides = array<i32>} : memref<1024x128xf32, #tpu.memory_space<vmem>>, vector<1024x128xf32>,
    %swap3A_24 = arith.constant 0 : index
    %swap3A_25 = arith.constant 0 : index
    %swap3A_26 = vector.load %arg5[%swap3A_24, %swap3A_25] : memref<1024x1xf32, #tpu.memory_space<vmem>>, vector<1024x1xf32>
    tpu.vector_store %arg5[%swap3A_24, %swap3A_25], %rsqrt3A {strides = array<i32>} : memref<1024x1xf32, #tpu.memory_space<vmem>>, vector<1024x1xf32>,
    return
  }
  func.func @transform_0(%arg0: i32) -> (i32, i32) {
    %c0_i32 = arith.constant 0 : i32
    %c0_i32_0 = arith.constant 0 : i32
    return %arg0, %c0_i32 : i32, i32
  }
  func.func @transform_1(%arg0: i32) -> (i32, i32) {
    %c0_i32 = arith.constant 0 : i32
    %c0_i32_0 = arith.constant 0 : i32
    %c0_i32_1 = arith.constant 0 : i32
    return %c0_i32, %c0_i32_0 : i32, i32
  }
  func.func @transform_2(%arg0: i32) -> (i32, i32, i32) {
    %c0_i32 = arith.constant 0 : i32
    %c0_i32_0 = arith.constant 0 : i32
    %c0_i32_1 = arith.constant 0 : i32
    return %c0_i32, %arg0, %c0_i32_0 : i32, i32, i32
  }
  func.func @transform_3(%arg0: i32) -> (i32, i32) {
    %c0_i32 = arith.constant 0 : i32
    %c0_i32_0 = arith.constant 0 : i32
    return %arg0, %c0_i32 : i32, i32
  }
  func.func @transform_4(%arg0: i32) -> (i32, i32) {
    %c0_i32 = arith.constant 0 : i32
    %c0_i32_0 = arith.constant 0 : i32
    return %arg0, %c0_i32 : i32, i32
  }
}

module attributes {stable_mosaic.version = 14 : i64} {
  func.func @_t2_body(%arg0: i32, %arg1: memref<2x1024x128xf32, #tpu.memory_space<vmem>>, %arg2: memref<1024x128xf32, #tpu.memory_space<vmem>>, %arg3: memref<1024x1xf32, #tpu.memory_space<vmem>>, %arg4: memref<128x128xf32, #tpu.memory_space<vmem>>, %arg5: memref<128xf32, #tpu.memory_space<vmem>>, %arg6: memref<1024x128xf32, #tpu.memory_space<vmem>>) attributes {dimension_semantics = [#tpu.dimension_semantics<arbitrary>], iteration_bounds = array<i64: 10>, scalar_prefetch = 0 : i64, scratch_operands = 0 : i64, tpu.core_type = #tpu.core_type<tc>, window_params = [{transform_indices = @transform_0, window_bounds = array<i64: 2, 1024, 128>}, {transform_indices = @transform_1, window_bounds = array<i64: 1024, 128>}, {transform_indices = @transform_2, window_bounds = array<i64: 1024, 1>}, {pipeline_mode = #tpu.pipeline_mode<synchronous>, transform_indices = @transform_3, window_bounds = array<i64: 128, 128>}, {pipeline_mode = #tpu.pipeline_mode<synchronous>, transform_indices = @transform_4, window_bounds = array<i64: 128>}, {transform_indices = @transform_5, window_bounds = array<i64: 1024, 128>}]} {
    %get3A = arith.constant 0 : index
    %get3A_0 = arith.constant 0 : index
    %get3A_1 = arith.constant 0 : index
    %get3A_2 = vector.load %arg1[%get3A, %get3A_0, %get3A_1] : memref<2x1024x128xf32, #tpu.memory_space<vmem>>, vector<1x1024x128xf32>
    %get3A_3 = vector.shape_cast %get3A_2 : vector<1x1024x128xf32> to vector<1024x128xf32>
    %get3A_4 = arith.constant 1 : index
    %get3A_5 = arith.constant 0 : index
    %get3A_6 = arith.constant 0 : index
    %get3A_7 = vector.load %arg1[%get3A_4, %get3A_5, %get3A_6] : memref<2x1024x128xf32, #tpu.memory_space<vmem>>, vector<1x1024x128xf32>
    %get3A_8 = vector.shape_cast %get3A_7 : vector<1x1024x128xf32> to vector<1024x128xf32>
    %add3A = arith.addf %get3A_3, %get3A_8 : vector<1024x128xf32>
    %get3A_9 = arith.constant 0 : index
    %get3A_10 = arith.constant 0 : index
    %get3A_11 = vector.load %arg3[%get3A_9, %get3A_10] : memref<1024x1xf32, #tpu.memory_space<vmem>>, vector<1024x1xf32>
    %get3A_12 = arith.constant 0 : index
    %get3A_13 = arith.constant 0 : index
    %get3A_14 = vector.load %arg2[%get3A_12, %get3A_13] : memref<1024x128xf32, #tpu.memory_space<vmem>>, vector<1024x128xf32>
    %sub3A = arith.subf %add3A, %get3A_14 : vector<1024x128xf32>
    %mul3A = vector.broadcast %get3A_11 : vector<1024x1xf32> to vector<1024x128xf32>
    %mul3A_15 = arith.mulf %sub3A, %mul3A : vector<1024x128xf32>
    %get3A_16 = arith.constant 0 : index
    %get3A_17 = vector.load %arg5[%get3A_16] : memref<128xf32, #tpu.memory_space<vmem>>, vector<128xf32>
    %broadcast_in_dim3A = vector.shape_cast %get3A_17 : vector<128xf32> to vector<1x128xf32>
    %add3A_18 = vector.broadcast %broadcast_in_dim3A : vector<1x128xf32> to vector<1024x128xf32>
    %add3A_19 = arith.addf %mul3A_15, %add3A_18 : vector<1024x128xf32>
    %integer_pow3A = arith.mulf %add3A_19, %add3A_19 : vector<1024x128xf32>
    %integer_pow3A_20 = arith.mulf %add3A_19, %integer_pow3A : vector<1024x128xf32>
    %mul3A_21 = arith.constant 4.471500e-02 : f32
    %mul3A_22 = vector.broadcast %mul3A_21 : f32 to vector<1024x128xf32>
    %mul3A_23 = arith.mulf %mul3A_22, %integer_pow3A_20 : vector<1024x128xf32>
    %add3A_24 = arith.addf %add3A_19, %mul3A_23 : vector<1024x128xf32>
    %mul3A_25 = arith.constant 0.797884583 : f32
    %mul3A_26 = vector.broadcast %mul3A_25 : f32 to vector<1024x128xf32>
    %mul3A_27 = arith.mulf %mul3A_26, %add3A_24 : vector<1024x128xf32>
    %tanh3A = math.tanh %mul3A_27 : vector<1024x128xf32>
    %add3A_28 = arith.constant 1.000000e+00 : f32
    %add3A_29 = vector.broadcast %add3A_28 : f32 to vector<1024x128xf32>
    %add3A_30 = arith.addf %add3A_29, %tanh3A : vector<1024x128xf32>
    %mul3A_31 = arith.constant 5.000000e-01 : f32
    %mul3A_32 = vector.broadcast %mul3A_31 : f32 to vector<1024x128xf32>
    %mul3A_33 = arith.mulf %mul3A_32, %add3A_30 : vector<1024x128xf32>
    %mul3A_34 = arith.mulf %add3A_19, %mul3A_33 : vector<1024x128xf32>
    %get3A_35 = arith.constant 0 : index
    %get3A_36 = arith.constant 0 : index
    %get3A_37 = vector.load %arg4[%get3A_35, %get3A_36] : memref<128x128xf32, #tpu.memory_space<vmem>>, vector<128x128xf32>
    %dot_general3A = arith.constant dense<0.000000e+00> : vector<1024x128xf32>
    %dot_general3A_38 = tpu.matmul %mul3A_34, %get3A_37, %dot_general3A {dimension_numbers = #tpu.dot_dimension_numbers<[1], [0], [0], [1], [0, 0, 1, 1], [], []>, transpose_lhs_hint = false} : vector<1024x128xf32>, vector<128x128xf32>, vector<1024x128xf32> -> vector<1024x128xf32>
    %mul3A_39 = vector.broadcast %get3A_11 : vector<1024x1xf32> to vector<1024x128xf32>
    %mul3A_40 = arith.mulf %dot_general3A_38, %mul3A_39 : vector<1024x128xf32>
    %swap3A = arith.constant 0 : index
    %swap3A_41 = arith.constant 0 : index
    %swap3A_42 = vector.load %arg6[%swap3A, %swap3A_41] : memref<1024x128xf32, #tpu.memory_space<vmem>>, vector<1024x128xf32>
    tpu.vector_store %arg6[%swap3A, %swap3A_41], %mul3A_40 {strides = array<i32>} : memref<1024x128xf32, #tpu.memory_space<vmem>>, vector<1024x128xf32>,
    return
  }
  func.func @transform_0(%arg0: i32) -> (i32, i32, i32) {
    %c0_i32 = arith.constant 0 : i32
    %c0_i32_0 = arith.constant 0 : i32
    %c0_i32_1 = arith.constant 0 : i32
    return %c0_i32, %arg0, %c0_i32_0 : i32, i32, i32
  }
  func.func @transform_1(%arg0: i32) -> (i32, i32) {
    %c0_i32 = arith.constant 0 : i32
    %c0_i32_0 = arith.constant 0 : i32
    return %arg0, %c0_i32 : i32, i32
  }
  func.func @transform_2(%arg0: i32) -> (i32, i32) {
    %c0_i32 = arith.constant 0 : i32
    %c0_i32_0 = arith.constant 0 : i32
    return %arg0, %c0_i32 : i32, i32
  }
  func.func @transform_3(%arg0: i32) -> (i32, i32) {
    %c0_i32 = arith.constant 0 : i32
    %c0_i32_0 = arith.constant 0 : i32
    %c0_i32_1 = arith.constant 0 : i32
    return %c0_i32, %c0_i32_0 : i32, i32
  }
  func.func @transform_4(%arg0: i32) -> i32 {
    %c0_i32 = arith.constant 0 : i32
    %c0_i32_0 = arith.constant 0 : i32
    return %c0_i32 : i32
  }
  func.func @transform_5(%arg0: i32) -> (i32, i32) {
    %c0_i32 = arith.constant 0 : i32
    %c0_i32_0 = arith.constant 0 : i32
    return %arg0, %c0_i32 : i32, i32
  }
}

module attributes {stable_mosaic.version = 14 : i64} {
  func.func @_t3_body(%arg0: i32, %arg1: memref<2x1024x128xf32, #tpu.memory_space<vmem>>, %arg2: memref<1024x128xf32, #tpu.memory_space<vmem>>, %arg3: memref<1024x1xf32, #tpu.memory_space<vmem>>, %arg4: memref<128xf32, #tpu.memory_space<vmem>>, %arg5: memref<1024x1xi32, #tpu.memory_space<vmem>>, %arg6: memref<128xf32, #tpu.memory_space<vmem>>, %arg7: memref<1xf32, #tpu.memory_space<vmem>>, %arg8: memref<64x1xf32, #tpu.memory_space<vmem>>, %arg9: memref<64x128xf32, #tpu.memory_space<vmem>>) attributes {dimension_semantics = [#tpu.dimension_semantics<arbitrary>], iteration_bounds = array<i64: 10>, scalar_prefetch = 0 : i64, scratch_operands = 1 : i64, tpu.core_type = #tpu.core_type<tc>, window_params = [{transform_indices = @transform_0, window_bounds = array<i64: 2, 1024, 128>}, {transform_indices = @transform_1, window_bounds = array<i64: 1024, 128>}, {transform_indices = @transform_2, window_bounds = array<i64: 1024, 1>}, {pipeline_mode = #tpu.pipeline_mode<synchronous>, transform_indices = @transform_3, window_bounds = array<i64: 128>}, {transform_indices = @transform_4, window_bounds = array<i64: 1024, 1>}, {pipeline_mode = #tpu.pipeline_mode<synchronous>, transform_indices = @transform_5, window_bounds = array<i64: 128>}, {pipeline_mode = #tpu.pipeline_mode<synchronous>, transform_indices = @transform_6, window_bounds = array<i64: 1>}, {pipeline_mode = #tpu.pipeline_mode<synchronous>, transform_indices = @transform_7, window_bounds = array<i64: 64, 1>}]} {
    %eq3A = arith.constant 0 : i32
    %eq3A_0 = arith.cmpi eq, %arg0, %eq3A : i32
    %convert_element_type3A = arith.extui %eq3A_0 : i1 to i32
    %cond3A = arith.constant 0 : i32
    %cond3A_1 = arith.cmpi ne, %convert_element_type3A, %cond3A : i32
    scf.if %cond3A_1 {
      %broadcast_in_dim3A_56 = arith.constant 0.000000e+00 : f32
      %broadcast_in_dim3A_57 = vector.broadcast %broadcast_in_dim3A_56 : f32 to vector<64x128xf32>
      %swap3A_58 = arith.constant 0 : index
      %swap3A_59 = arith.constant 0 : index
      %swap3A_60 = vector.load %arg9[%swap3A_58, %swap3A_59] : memref<64x128xf32, #tpu.memory_space<vmem>>, vector<64x128xf32>
      tpu.vector_store %arg9[%swap3A_58, %swap3A_59], %broadcast_in_dim3A_57 {strides = array<i32>} : memref<64x128xf32, #tpu.memory_space<vmem>>, vector<64x128xf32>,
    } else {
    }
    %get3A = arith.constant 0 : index
    %get3A_2 = arith.constant 0 : index
    %get3A_3 = arith.constant 0 : index
    %get3A_4 = vector.load %arg1[%get3A, %get3A_2, %get3A_3] : memref<2x1024x128xf32, #tpu.memory_space<vmem>>, vector<1x1024x128xf32>
    %get3A_5 = vector.shape_cast %get3A_4 : vector<1x1024x128xf32> to vector<1024x128xf32>
    %get3A_6 = arith.constant 1 : index
    %get3A_7 = arith.constant 0 : index
    %get3A_8 = arith.constant 0 : index
    %get3A_9 = vector.load %arg1[%get3A_6, %get3A_7, %get3A_8] : memref<2x1024x128xf32, #tpu.memory_space<vmem>>, vector<1x1024x128xf32>
    %get3A_10 = vector.shape_cast %get3A_9 : vector<1x1024x128xf32> to vector<1024x128xf32>
    %add3A = arith.addf %get3A_5, %get3A_10 : vector<1024x128xf32>
    %get3A_11 = arith.constant 0 : index
    %get3A_12 = arith.constant 0 : index
    %get3A_13 = vector.load %arg2[%get3A_11, %get3A_12] : memref<1024x128xf32, #tpu.memory_space<vmem>>, vector<1024x128xf32>
    %sub3A = arith.subf %add3A, %get3A_13 : vector<1024x128xf32>
    %get3A_14 = arith.constant 0 : index
    %get3A_15 = arith.constant 0 : index
    %get3A_16 = vector.load %arg3[%get3A_14, %get3A_15] : memref<1024x1xf32, #tpu.memory_space<vmem>>, vector<1024x1xf32>
    %mul3A = vector.broadcast %get3A_16 : vector<1024x1xf32> to vector<1024x128xf32>
    %mul3A_17 = arith.mulf %sub3A, %mul3A : vector<1024x128xf32>
    %get3A_18 = arith.constant 0 : index
    %get3A_19 = vector.load %arg4[%get3A_18] : memref<128xf32, #tpu.memory_space<vmem>>, vector<128xf32>
    %broadcast_in_dim3A = vector.shape_cast %get3A_19 : vector<128xf32> to vector<1x128xf32>
    %add3A_20 = vector.broadcast %broadcast_in_dim3A : vector<1x128xf32> to vector<1024x128xf32>
    %add3A_21 = arith.addf %mul3A_17, %add3A_20 : vector<1024x128xf32>
    %integer_pow3A = arith.mulf %add3A_21, %add3A_21 : vector<1024x128xf32>
    %integer_pow3A_22 = arith.mulf %add3A_21, %integer_pow3A : vector<1024x128xf32>
    %mul3A_23 = arith.constant 4.471500e-02 : f32
    %mul3A_24 = vector.broadcast %mul3A_23 : f32 to vector<1024x128xf32>
    %mul3A_25 = arith.mulf %mul3A_24, %integer_pow3A_22 : vector<1024x128xf32>
    %add3A_26 = arith.addf %add3A_21, %mul3A_25 : vector<1024x128xf32>
    %mul3A_27 = arith.constant 0.797884583 : f32
    %mul3A_28 = vector.broadcast %mul3A_27 : f32 to vector<1024x128xf32>
    %mul3A_29 = arith.mulf %mul3A_28, %add3A_26 : vector<1024x128xf32>
    %tanh3A = math.tanh %mul3A_29 : vector<1024x128xf32>
    %add3A_30 = arith.constant 1.000000e+00 : f32
    %add3A_31 = vector.broadcast %add3A_30 : f32 to vector<1024x128xf32>
    %add3A_32 = arith.addf %add3A_31, %tanh3A : vector<1024x128xf32>
    %mul3A_33 = arith.constant 5.000000e-01 : f32
    %mul3A_34 = vector.broadcast %mul3A_33 : f32 to vector<1024x128xf32>
    %mul3A_35 = arith.mulf %mul3A_34, %add3A_32 : vector<1024x128xf32>
    %mul3A_36 = arith.mulf %add3A_21, %mul3A_35 : vector<1024x128xf32>
    %get3A_37 = arith.constant 0 : index
    %get3A_38 = arith.constant 0 : index
    %get3A_39 = vector.load %arg5[%get3A_37, %get3A_38] : memref<1024x1xi32, #tpu.memory_space<vmem>>, vector<1024x1xi32>
    %iota3A = tpu.iota {dimensions = array<i32: 1>} : vector<1024x64xi32>
    %eq3A_40 = vector.broadcast %get3A_39 : vector<1024x1xi32> to vector<1024x64xi32>
    %eq3A_41 = arith.cmpi eq, %eq3A_40, %iota3A : vector<1024x64xi32>
    %convert_element_type3A_42 = arith.extui %eq3A_41 : vector<1024x64xi1> to vector<1024x64xi32>
    %convert_element_type3A_43 = arith.sitofp %convert_element_type3A_42 : vector<1024x64xi32> to vector<1024x64xf32>
    %get3A_44 = arith.constant 0 : index
    %get3A_45 = arith.constant 0 : index
    %get3A_46 = vector.load %arg9[%get3A_44, %get3A_45] : memref<64x128xf32, #tpu.memory_space<vmem>>, vector<64x128xf32>
    %dot_general3A = arith.constant dense<0.000000e+00> : vector<64x128xf32>
    %dot_general3A_47 = tpu.matmul %convert_element_type3A_43, %mul3A_36, %dot_general3A {dimension_numbers = #tpu.dot_dimension_numbers<[0], [0], [1], [1], [0, 1, 1, 1], [], []>, transpose_lhs_hint = false} : vector<1024x64xf32>, vector<1024x128xf32>, vector<64x128xf32> -> vector<64x128xf32>
    %add3A_48 = arith.addf %get3A_46, %dot_general3A_47 : vector<64x128xf32>
    %swap3A = arith.constant 0 : index
    %swap3A_49 = arith.constant 0 : index
    %swap3A_50 = vector.load %arg9[%swap3A, %swap3A_49] : memref<64x128xf32, #tpu.memory_space<vmem>>, vector<64x128xf32>
    tpu.vector_store %arg9[%swap3A, %swap3A_49], %add3A_48 {strides = array<i32>} : memref<64x128xf32, #tpu.memory_space<vmem>>, vector<64x128xf32>,
    %eq3A_51 = arith.constant 9 : i32
    %eq3A_52 = arith.cmpi eq, %arg0, %eq3A_51 : i32
    %convert_element_type3A_53 = arith.extui %eq3A_52 : i1 to i32
    %cond3A_54 = arith.constant 0 : i32
    %cond3A_55 = arith.cmpi ne, %convert_element_type3A_53, %cond3A_54 : i32
    scf.if %cond3A_55 {
      %get3A_56 = arith.constant 0 : index
      %get3A_57 = arith.constant 0 : index
      %get3A_58 = vector.load %arg9[%get3A_56, %get3A_57] : memref<64x128xf32, #tpu.memory_space<vmem>>, vector<64x128xf32>
      %get3A_59 = arith.constant 0 : index
      %get3A_60 = vector.load %arg6[%get3A_59] : memref<128xf32, #tpu.memory_space<vmem>>, vector<128xf32>
      %broadcast_in_dim3A_61 = vector.shape_cast %get3A_60 : vector<128xf32> to vector<1x128xf32>
      %mul3A_62 = vector.broadcast %broadcast_in_dim3A_61 : vector<1x128xf32> to vector<64x128xf32>
      %mul3A_63 = arith.mulf %get3A_58, %mul3A_62 : vector<64x128xf32>
      %reduce_sum3A = arith.constant dense<0.000000e+00> : vector<64xf32>
      %reduce_sum3A_64 = vector.multi_reduction <add>, %mul3A_63, %reduce_sum3A [1] : vector<64x128xf32> to vector<64xf32>
      %get3A_65 = arith.constant 0 : index
      %get3A_66 = vector.load %arg7[%get3A_65] : memref<1xf32, #tpu.memory_space<vmem>>, vector<1xf32>
      %add3A_67 = vector.broadcast %get3A_66 : vector<1xf32> to vector<64xf32>
      %add3A_68 = arith.addf %reduce_sum3A_64, %add3A_67 : vector<64xf32>
      %integer_pow3A_69 = arith.mulf %add3A_68, %add3A_68 : vector<64xf32>
      %integer_pow3A_70 = arith.mulf %add3A_68, %integer_pow3A_69 : vector<64xf32>
      %mul3A_71 = arith.constant 4.471500e-02 : f32
      %mul3A_72 = vector.broadcast %mul3A_71 : f32 to vector<64xf32>
      %mul3A_73 = arith.mulf %mul3A_72, %integer_pow3A_70 : vector<64xf32>
      %add3A_74 = arith.addf %add3A_68, %mul3A_73 : vector<64xf32>
      %mul3A_75 = arith.constant 0.797884583 : f32
      %mul3A_76 = vector.broadcast %mul3A_75 : f32 to vector<64xf32>
      %mul3A_77 = arith.mulf %mul3A_76, %add3A_74 : vector<64xf32>
      %tanh3A_78 = math.tanh %mul3A_77 : vector<64xf32>
      %add3A_79 = arith.constant 1.000000e+00 : f32
      %add3A_80 = vector.broadcast %add3A_79 : f32 to vector<64xf32>
      %add3A_81 = arith.addf %add3A_80, %tanh3A_78 : vector<64xf32>
      %mul3A_82 = arith.constant 5.000000e-01 : f32
      %mul3A_83 = vector.broadcast %mul3A_82 : f32 to vector<64xf32>
      %mul3A_84 = arith.mulf %mul3A_83, %add3A_81 : vector<64xf32>
      %mul3A_85 = arith.mulf %add3A_68, %mul3A_84 : vector<64xf32>
      %broadcast_in_dim3A_86 = vector.shape_cast %mul3A_85 : vector<64xf32> to vector<64x1xf32>
      %swap3A_87 = arith.constant 0 : index
      %swap3A_88 = arith.constant 0 : index
      %swap3A_89 = vector.load %arg8[%swap3A_87, %swap3A_88] : memref<64x1xf32, #tpu.memory_space<vmem>>, vector<64x1xf32>
      tpu.vector_store %arg8[%swap3A_87, %swap3A_88], %broadcast_in_dim3A_86 {strides = array<i32>} : memref<64x1xf32, #tpu.memory_space<vmem>>, vector<64x1xf32>,
    } else {
    }
    return
  }
  func.func @transform_0(%arg0: i32) -> (i32, i32, i32) {
    %c0_i32 = arith.constant 0 : i32
    %c0_i32_0 = arith.constant 0 : i32
    %c0_i32_1 = arith.constant 0 : i32
    return %c0_i32, %arg0, %c0_i32_0 : i32, i32, i32
  }
  func.func @transform_1(%arg0: i32) -> (i32, i32) {
    %c0_i32 = arith.constant 0 : i32
    %c0_i32_0 = arith.constant 0 : i32
    return %arg0, %c0_i32 : i32, i32
  }
  func.func @transform_2(%arg0: i32) -> (i32, i32) {
    %c0_i32 = arith.constant 0 : i32
    %c0_i32_0 = arith.constant 0 : i32
    return %arg0, %c0_i32 : i32, i32
  }
  func.func @transform_3(%arg0: i32) -> i32 {
    %c0_i32 = arith.constant 0 : i32
    %c0_i32_0 = arith.constant 0 : i32
    return %c0_i32 : i32
  }
  func.func @transform_4(%arg0: i32) -> (i32, i32) {
    %c0_i32 = arith.constant 0 : i32
    %c0_i32_0 = arith.constant 0 : i32
    return %arg0, %c0_i32 : i32, i32
  }
  func.func @transform_5(%arg0: i32) -> i32 {
    %c0_i32 = arith.constant 0 : i32
    %c0_i32_0 = arith.constant 0 : i32
    return %c0_i32 : i32
  }
  func.func @transform_6(%arg0: i32) -> i32 {
    %c0_i32 = arith.constant 0 : i32
    %c0_i32_0 = arith.constant 0 : i32
    return %c0_i32 : i32
  }
  func.func @transform_7(%arg0: i32) -> (i32, i32) {
    %c0_i32 = arith.constant 0 : i32
    %c0_i32_0 = arith.constant 0 : i32
    %c0_i32_1 = arith.constant 0 : i32
    return %c0_i32, %c0_i32_0 : i32, i32
  }
}

</mosaic_0001>

<sc_bundles>
// kernel: kernel.11.cloned.1.call-start
scs
__scs_entry_jumppad:
0x0: {  	(pc) =	sbr.rel $0x88, $3  }
0x1: {  	(tag) =	ssettag $0x0;
	lr =	simm.s32 $0x1  }
0x2: {  	[smem:$0x3F98] =	sst lr;
	_ =	strace $0xD0000000  }
0x3: {  	_ = 	snop  }
0x4: {  	_ = 	snop  }
0x5: {  	_ = 	snop  }
0x6: {  	_ = 	snop  }
0x7: {  	_ = 	snop  }
__scs_overlays_trampoline_lowered:
0x8: {  	[smem:$0x3FA7] =	sst s0  }
0x9: {  	[smem:$0x3FA8] =	sst s1  }
0xa: {  	[smem:$0x3FA9] =	sst s2  }
0xb: {  	[smem:$0x3FAA] =	sst s3  }
0xc: {  	[smem:$0x3FAB] =	sst s4  }
0xd: {  	[smem:$0x3FAC] =	sst s5  }
0xe: {  	[smem:$0x3FAD] =	sst s6  }
0xf: {  	[smem:$0x3FAE] =	sst s7  }
0x10: {  	[smem:$0x3FAF] =	sst s8  }
0x11: {  	[smem:$0x3FB0] =	sst s9;
	s0 =	simm.s32 @!p0 $0x0  }
0x12: {  	s1 =	sld [smem:$0x3F96];
	s0 =	simm.s32 @p0 $0x1  }
0x13: {  	[smem:$0x3FB1] =	sst s0;
	s0 =	simm.s32 @!p1 $0x0  }
0x14: {  	s2 =	sld [smem:$0x3F95];
	s0 =	simm.s32 @p1 $0x1  }
0x15: {  	[smem:$0x3FB2] =	sst s0;
	s0 =	simm.s32 @!p2 $0x0  }
0x16: {  	s3 =	sld [smem:$0x3FDB];
	s0 =	simm.s32 @p2 $0x1  }
0x17: {  	s4 =	simm.s32 $0x1BF5;
	[smem:$0x3FB4] =	sst s0  }
0x18: {  	s0 =	sld [smem:$0x3F97];
	_ =	swait.ge [sflag:s4], $0x0  }
0x19: {  	s7 =	sld [smem:$0x3F98]  }
0x1a: {  	s8 =	sadd.s32 $0xFFFFE003, lr  }
0x1b: {  	s9 =	sadd.s32 $0xFFFFFEF7, lr;
	s5 =	simm.s32 $0xFFFFFFFF;
	p2 =	slt.u32 s8, $0xFFFFF086  }
0x1c: {  	p1 =	slt.u32 s9, $0xF7A;
	s5 =	simm.s32 @!p2 $0x0  }
0x1d: {  	s5 =	simm.s32 @p1 $0x1;
	p0 =	seq.s32 s7, s2  }
0x1e: {  	s7 =	smul.u32 @!p0 $0xF7A, s2;
	p2 =	seq.s32 @!p0 s5, $0x0  }
0x1f: {  	s9 =	smul.u32 $0xF7A, s1;
	s8 =	simm.s32 @!p0 $0x1BF5;
	p2 =	por !p2, p0  }
0x20: {  	[sflag:s8] =	ssyncset.s32 @!p0 $0xFFFFF086;
	s6 =	sadd.s32 @!p0 s3, s7;
	s7 =	simm.s32 @!p0 $0x108  }
0x21: {  	s3 =	sadd.s32 s3, s9;
	s6 =	sadd.s32 @!p0 $0x88, s6;
	s7 =	simm.s32 @p2 $0x1082  }
0x22: {  	[simem:s7], [sflag:s8] =	dma.local @!p0 [hbm:s6], $0xF7A  }
0x23: {  	s9 =	sor.u32 $0xD0000000, s2;
	s6 =	simm.s32 $0x108;
	_ =	swait.ge @!p0 [sflag:s8], $0x0  }
0x24: {  	s3 =	sadd.s32 $0x88, s3;
	s6 =	simm.s32 @!p1 $0x1082;
	[sflag:s4] =	ssyncset.s32 $0xFFFFF086  }
0x25: {  	[simem:s6], [sflag:s4] =	dma.local [hbm:s3], $0xF7A  }
0x26: {  	[smem:$0x3F98] =	sst s1;
	(tag) =	ssettag s2;
	_ =	strace s9  }
0x27: {  	s1 =	sld [smem:$0x3FA8]  }
0x28: {  	s2 =	sld [smem:$0x3FA9]  }
0x29: {  	s4 =	sld [smem:$0x3FAB]  }
0x2a: {  	p0 =	seq.s32 s5, $0x0;
	s5 =	sld [smem:$0x3FAC]  }
0x2b: {  	s6 =	sld [smem:$0x3FAD]  }
0x2c: {  	s7 =	sld [smem:$0x3FAE]  }
0x2d: {  	s3 =	simm.s32 $0x108;
	s8 =	sld [smem:$0x3FAF]  }
0x2e: {  	s3 =	simm.s32 @!p0 $0x1082;
	s9 =	sld [smem:$0x3FB0]  }
0x2f: {  	lr =	sadd.s32 s0, s3;
	s0 =	sld [smem:$0x3FA7]  }
0x30: {  	s3 =	sld [smem:$0x3FAA]  }
0x31: {  	[smem:$0x3FB3] =	sst s10  }
0x32: {  	s10 =	sld [smem:$0x3FB1];
	_ =	sdelay $0x3  }
0x33: {  	p0 =	seq.s32 s10, $0x1;
	s10 =	sld [smem:$0x3FB3];
	_ =	sdelay $0x3  }
0x34: {  	[smem:$0x3FB3] =	sst s10  }
0x35: {  	s10 =	sld [smem:$0x3FB2];
	_ =	sdelay $0x3  }
0x36: {  	p1 =	seq.s32 s10, $0x1;
	s10 =	sld [smem:$0x3FB3];
	_ =	sdelay $0x3  }
0x37: {  	[smem:$0x3FB3] =	sst s10  }
0x38: {  	s10 =	sld [smem:$0x3FB4]  }
0x39: {  	_ = 	snop;
	(pc) =	sbr.ind lr, $3  }
0x3a: {  	_ = 	snop  }
0x3b: {  	_ = 	snop  }
0x3c: {  	p2 =	seq.s32 s10, $0x1;
	s10 =	sld [smem:$0x3FB3]  }
0x3d: {  	_ =	shalt  }
0x3e: {  	_ =	shalt  }
0x3f: {  	_ =	shalt  }
0x40: {  	_ =	shalt  }
0x41: {  	_ =	shalt  }
0x42: {  	_ =	shalt  }
0x43: {  	_ =	shalt  }
0x44: {  	_ =	shalt  }
0x45: {  	_ =	shalt  }
0x46: {  	_ =	shalt  }
0x47: {  	_ =	shalt  }
0x48: {  	_ =	shalt  }
0x49: {  	_ =	shalt  }
0x4a: {  	_ =	shalt  }
0x4b: {  	_ =	shalt  }
0x4c: {  	_ =	shalt  }
0x4d: {  	_ =	shalt  }
0x4e: {  	_ =	shalt  }
0x4f: {  	_ =	shalt  }
0x50: {  	_ =	shalt  }
0x51: {  	_ =	shalt  }
0x52: {  	_ =	shalt  }
0x53: {  	_ =	shalt  }
0x54: {  	_ =	shalt  }
0x55: {  	_ =	shalt  }
0x56: {  	_ =	shalt  }
0x57: {  	_ =	shalt  }
0x58: {  	_ =	shalt  }
0x59: {  	_ =	shalt  }
0x5a: {  	_ =	shalt  }
0x5b: {  	_ =	shalt  }
0x5c: {  	_ =	shalt  }
0x5d: {  	_ =	shalt  }
0x5e: {  	_ =	shalt  }
0x5f: {  	_ =	shalt  }
0x60: {  	_ =	shalt  }
0x61: {  	_ =	shalt  }
0x62: {  	_ =	shalt  }
0x63: {  	_ =	shalt  }
0x64: {  	_ =	shalt  }
0x65: {  	_ =	shalt  }
0x66: {  	_ =	shalt  }
0x67: {  	_ =	shalt  }
0x68: {  	_ =	shalt  }
0x69: {  	_ =	shalt  }
0x6a: {  	_ =	shalt  }
0x6b: {  	_ =	shalt  }
0x6c: {  	_ =	shalt  }
0x6d: {  	_ =	shalt  }
0x6e: {  	_ =	shalt  }
0x6f: {  	_ =	shalt  }
0x70: {  	_ =	shalt  }
0x71: {  	_ =	shalt  }
0x72: {  	_ =	shalt  }
0x73: {  	_ =	shalt  }
0x74: {  	_ =	shalt  }
0x75: {  	_ =	shalt  }
0x76: {  	_ =	shalt  }
0x77: {  	_ =	shalt  }
0x78: {  	_ =	shalt  }
0x79: {  	_ =	shalt  }
0x7a: {  	_ =	shalt  }
0x7b: {  	_ =	shalt  }
0x7c: {  	_ =	shalt  }
0x7d: {  	_ =	shalt  }
0x7e: {  	_ =	shalt  }
0x7f: {  	_ =	shalt  }
0x80: {  	_ =	shalt  }
0x81: {  	_ =	shalt  }
0x82: {  	_ =	shalt  }
0x83: {  	_ =	shalt  }
0x84: {  	_ =	shalt  }
0x85: {  	_ =	shalt  }
0x86: {  	_ =	shalt  }
0x87: {  	_ =	shalt  }
.Lfunc_end0:
.L_simem_size_0:
called_computation.1_lowered:
.L_overlay_start_0:
0x88: {  	s2 =	sld [smem:$0x3FD9]  }
0x89: {  	s3 =	sld [smem:$0x3FFE];
	_ =	sdelay $0x1  }
0x8a: {  	s1 =	srdreg.scid  }
0x8b: {  	s0 =	sand.u32 $0x1, s1  }
0x8c: {  	s16 =	sshll.u32 s0, $0xA;
	s2 =	sadd.s32 s3, s2  }
0x8d: {  	s2 =	sadd.s32 s2, s16  }
0x8e: {  	[smem:$0x3FBF] =	sst s2  }
0x8f: {  	_ = 	snop  }
0x90: {  	(tm) =	ssettm $0x1  }
0x91: {  	s17 =	sld [smem:$0x3FFB];
	_ =	sdelay $0x3  }
0x92: {  	_ =	strace s17  }
0x93: {  	s2 =	sld [smem:$0x3FFC];
	_ =	sdelay $0x3  }
0x94: {  	_ =	strace s2  }
0x95: {  	s2 =	sld [smem:$0x3FFD];
	_ =	sdelay $0x3  }
0x96: {  	_ =	strace s2  }
0x97: {  	_ =	strace $0x8FFFFFFF  }
0x98: {  	s18 =	sld [smem:$0x3FDB];
	_ =	sdelay $0x1  }
0x99: {  	s19 =	simm.s32 $_scs_section_size  }
0x9a: {  	s4 =	simm.s32 $_size__tile_overlayer_lowered;
	s5 =	simm.s32 $_tile_overlayer_lowered  }
0x9b: {  	s22 =	simm.s32 $0x1BFF;
	s21 =	sshll.u32 s5, $0x1;
	s2 =	sadd.s32 s19, s18  }
0x9c: {  	s6 =	simm.s32 $0x0;
	s20 =	sshll.u32 s4, $0x1;
	s4 =	sadd.s32 s21, s2  }
0x9d: {  	[timem:s6], [sflag:s22] =	dma.local [hbm:s4], s20  }
0x9e: {  	_ =	swait.ge [sflag:s22], s20  }
0x9f: {  	s3 =	ssub.s32 $0x0, s20;
	[sflag:s22] =	ssyncset.done $0x0  }
0xa0: {  	[sflag:s22] =	ssyncadd.s32 s3;
	_ =	sdelay $0x1  }
0xa1: {  	s23 =	simm.s32 $0x1B8B  }
0xa2: {  	_ =	swait.ge [sflag:s23], $0x1  }
0xa3: {  	[sflag:s23] =	ssyncset.done $0x0  }
0xa4: {  	s25 =	simm.s32 $0x1B8E;
	s24 =	sld [smem:$0x3FFE];
	[sflag:s23] =	ssyncadd.s32 $0xFFFFFFFF  }
0xa5: {  	s26 =	simm.s32 $execute0_lowered;
	[smem:$0x3FD2] =	sst s25  }
0xa6: {  	s4 =	sshll.u32 s26, $0x1;
	_ =	strace $0x80000049;
	[dreg:$0x1] =	wrdreg $0xFFFFFFFF  }
0xa7: {  	s28 =	simm.s32 $_size_execute0_lowered;
	s2 =	sadd.s32 s2, s4;
	[dreg:$0x0] =	wrdreg $0x0  }
0xa8: {  	s4 =	sshll.u32 s28, $0x1;
	[dreg:$0x2] =	wrdreg s2  }
0xa9: {  	[dreg:$0x3] =	wrdreg s4  }
0xaa: {  	[dreg:$0x4] =	wrdreg $0xC0  }
0xab: {  	_ =	task [dreg:s6], $0x5FFFF  }
0xac: {  	[dreg:$0x1] =	wrdreg $0xFFFFFFFF  }
0xad: {  	[dreg:$0x0] =	wrdreg $0x60  }
0xae: {  	[dreg:$0x2] =	wrdreg s24  }
0xaf: {  	[dreg:$0x3] =	wrdreg $0x90000  }
0xb0: {  	[dreg:$0x4] =	wrdreg $0x9  }
0xb1: {  	_ =	task.clear_ibuf [dreg:s6], $0x5FFFF;
	_ =	strace $0x90000049  }
0xb2: {  	s29 =	simm.s32 $0x9;
	_ =	strace $0x8000004B  }
0xb3: {  	_ =	swait.ge [sflag:s29], $0x1  }
0xb4: {  	[sflag:s29] =	ssyncadd.s32 $0xFFFFFFFF  }
0xb5: {  	_ =	strace $0x9000004B  }
0xb6: {  	_ =	sfence  }
0xb7: {  	s30 =	sld [smem:$0x0];
	_ =	sdelay $0x2  }
0xb8: {  	s31 =	sshll.u32 s1, $0xD;
	s1 =	sshrl.u32 s1, $0x2  }
0xb9: {  	s3 =	sand.u32 $0x4000, s31;
	s1 =	sadd.s32 s1, s30  }
0xba: {  	s0 =	sor.u32 s3, s0;
	s1 =	sshll.u32 s1, $0x11  }
0xbb: {  	s0 =	sor.u32 s1, s0  }
0xbc: {  	s0 =	sadd.s32 $0x8F2B, s0  }
0xbd: {  	[sflag:s0] =	ssyncadd.remote.s32 $0x1  }
0xbe: {  	_ =	sfence.sel $0xFFFF  }
0xbf: {  	[dreg:$0x0] =	wrdreg $0xFFFFFFFF;
	(pc) =	sbr.abs _section_cstart, $3  }
0xc0: {  	[dreg:$0x1] =	wrdreg $0xFFFFFFFF  }
0xc1: {  	_ =	task.clear_ibuf [dreg:s6], $0x2FFFF;
	_ =	strace $0x9FFFFFFF  }
0xc2: {  	(tm) =	ssettm $0x7FFFFFFF  }
0xc3: {  	_ =	shalt  }
tec
execute0_lowered:
.L_overlay_start_1:
0x0: {  	(tag) =	ssettag $0x1  }
0x1: {  	s5 =	rddreg [dreg:$0x0]  }
0x2: {  	s1 =	srdreg.scid;
	s0 =	stileid.u32  }
0x3: {  	s2 =	rddreg [dreg:$0x1];
	s3 =	simm.s32 $0x0;
	s14 =	smul.u32 $0x280, s0  }
0x4: {  	s28 =	simm.s32 $0x1;
	s29 =	simm.s32 $0x0;
	s9 =	smul.u32 $0x50000, s0  }
0x5: {  	s6 =	sand.u32 $0x1, s1;
	s4 =	sshll.u32 s0, $0x1;
	s25 =	smul.u32 $0x2800, s0  }
0x6: {  	[smem:$0x7FF] =	sst s3;
	s22 =	sadd.s32 $0x66200, s5;
	s19 =	smul.u32 $0x14000, s0  }
0x7: {  	s4 =	sor.u32 s6, s4;
	_ =	strace $0x8000004A;
	s20 =	smul.u32 $0x140000, s6  }
0x8: {  	s8 =	ssub.s32 $0x2, s6;
	s7 =	smul.u32 $0x500, s4;
	s4 =	sadd.s32 $0xC200, s5  }
0x9: {  	s23 =	sshrl.u32 s8, $0x1;
	s24 =	sshrl.u32 s9, $0x2;
	s10 =	sadd.s32 $0x80, s14  }
0xa: {  	s12 =	sadd.s32 $0x100, s14;
	s15 =	sadd.s32 $0x180, s14;
	s18 =	sadd.s32 $0x200, s14  }
0xb: {  	s8 =	ssub.s32 s8, s23;
	s9 =	sadd.s32 s4, s25;
	s11 =	sshll.u32 s10, $0x4  }
0xc: {  	s17 =	sshll.u32 s10, $0x7;
	s13 =	sshll.u32 s12, $0x4;
	s21 =	sshll.u32 s12, $0x7  }
0xd: {  	s16 =	sshll.u32 s15, $0x4;
	s23 =	sshll.u32 s15, $0x7;
	s26 =	sshll.u32 s18, $0x4  }
0xe: {  	s19 =	sadd.s32 s20, s19;
	s25 =	simm.s32 $0x5000;
	s7 =	sadd.s32 s7, s5  }
0xf: {  	s8 =	smax.u32 s8, $0x1;
	s10 =	sadd.s32 s4, s11;
	s11 =	sadd.s32 s17, s2  }
0x10: {  	s12 =	sadd.s32 s4, s13;
	s13 =	sadd.s32 s21, s2;
	s14 =	sadd.s32 s4, s16  }
0x11: {  	s15 =	sadd.s32 s23, s2;
	s16 =	sadd.s32 s4, s26;
	s17 =	sadd.s32 s20, s17  }
0x12: {  	s30 =	sshrl.u32 s19, $0x3;
	s21 =	sadd.s32 s20, s21;
	s23 =	sadd.s32 s20, s23  }
0x13: {  	s26 =	simm.s32 $0x80;
	s5 =	sadd.s32 $0x5C200, s7;
	s6 =	sadd.s32 $0x2200, s7  }
0x14: {  	s7 =	sadd.s32 s24, s2;
	s24 =	sshll.u32 s18, $0x7;
	s31 =	sshrl.u32 s17, $0x3  }
0x15: {  	s18 =	sadd.s32 s22, s30;
	s21 =	sshrl.u32 s21, $0x3;
	s23 =	sshrl.u32 s23, $0x3  }
0x16: {  	s17 =	sadd.s32 s24, s2;
	s19 =	sadd.s32 s22, s31;
	s20 =	sadd.s32 s20, s24  }
0x17: {  	s24 =	sshrl.u32 s20, $0x3;
	s20 =	sadd.s32 s22, s21;
	s21 =	sadd.s32 s22, s23  }
0x18: {  	s23 =	simm.s32 $0x2;
	s22 =	sadd.s32 s22, s24;
	s24 =	simm.s32 $0x2800  }
.LBB2_1:
0x19: {  	[tilespmem:s3], [sflag:$0x2] =	stream.linear.gather [hbm4b:s5+s3], $0x2780, $0x38;
	[tilespmem:$0x1D000] =	vst v63  }
0x1a: {  	_ =	swait.ge [sflag:s23], $0x2780  }
0x1b: {  	[sflag:s23] =	ssyncset.done $0x0  }
0x1c: {  	[sflag:s23] =	ssyncadd.s32 $0xFFFFD880  }
0x1d: {  	[tilespmem:s24], [sflag:$0x2] =	stream.linear.gather [hbm4b:s6+s3], $0x2780, $0x38;
	[tilespmem:$0x1D000] =	vst v63  }
0x1e: {  	_ =	swait.ge [sflag:s23], $0x2780  }
0x1f: {  	[sflag:s23] =	ssyncset.done $0x0  }
0x20: {  	[sflag:s23] =	ssyncadd.s32 $0xFFFFD880  }
0x21: {  	[tilespmem:s25], [sflag:$0x2] =	stream.linear.gather [hbm4b:s9+s3], $0x4000, $0x38;
	[tilespmem:$0x1D000] =	vst v63  }
0x22: {  	_ =	swait.ge [sflag:s23], $0x4000  }
0x23: {  	[sflag:s23] =	ssyncset.done $0x0  }
0x24: {  	[sflag:s23] =	ssyncadd.s32 $0xFFFFC000  }
0x25: {  	[spmem:s7] =	stream.linear.scatter [tilespmem:s25], [sflag:$0x2], $0x4000, $0x38;
	[tilespmem:$0x1D000] =	vst v63  }
0x26: {  	_ =	swait.ge [sflag:s23], $0x4000  }
0x27: {  	[sflag:s23] =	ssyncset.done $0x0  }
0x28: {  	[sflag:s23] =	ssyncadd.s32 $0xFFFFC000  }
0x29: {  	[tilespmem:s25], [sflag:$0x2] =	stream.linear.gather [hbm4b:s10+s3], $0x4000, $0x38;
	[tilespmem:$0x1D000] =	vst v63  }
0x2a: {  	_ =	swait.ge [sflag:s23], $0x4000  }
0x2b: {  	[sflag:s23] =	ssyncset.done $0x0  }
0x2c: {  	[sflag:s23] =	ssyncadd.s32 $0xFFFFC000  }
0x2d: {  	[spmem:s11] =	stream.linear.scatter [tilespmem:s25], [sflag:$0x2], $0x4000, $0x38;
	[tilespmem:$0x1D000] =	vst v63  }
0x2e: {  	_ =	swait.ge [sflag:s23], $0x4000  }
0x2f: {  	[sflag:s23] =	ssyncset.done $0x0  }
0x30: {  	[sflag:s23] =	ssyncadd.s32 $0xFFFFC000  }
0x31: {  	[tilespmem:s25], [sflag:$0x2] =	stream.linear.gather [hbm4b:s12+s3], $0x4000, $0x38;
	[tilespmem:$0x1D000] =	vst v63  }
0x32: {  	_ =	swait.ge [sflag:s23], $0x4000  }
0x33: {  	[sflag:s23] =	ssyncset.done $0x0  }
0x34: {  	[sflag:s23] =	ssyncadd.s32 $0xFFFFC000  }
0x35: {  	[spmem:s13] =	stream.linear.scatter [tilespmem:s25], [sflag:$0x2], $0x4000, $0x38;
	[tilespmem:$0x1D000] =	vst v63  }
0x36: {  	_ =	swait.ge [sflag:s23], $0x4000  }
0x37: {  	[sflag:s23] =	ssyncset.done $0x0  }
0x38: {  	[sflag:s23] =	ssyncadd.s32 $0xFFFFC000  }
0x39: {  	[tilespmem:s25], [sflag:$0x2] =	stream.linear.gather [hbm4b:s14+s3], $0x4000, $0x38;
	[tilespmem:$0x1D000] =	vst v63  }
0x3a: {  	_ =	swait.ge [sflag:s23], $0x4000  }
0x3b: {  	[sflag:s23] =	ssyncset.done $0x0  }
0x3c: {  	[sflag:s23] =	ssyncadd.s32 $0xFFFFC000  }
0x3d: {  	[spmem:s15] =	stream.linear.scatter [tilespmem:s25], [sflag:$0x2], $0x4000, $0x38;
	[tilespmem:$0x1D000] =	vst v63  }
0x3e: {  	_ =	swait.ge [sflag:s23], $0x4000  }
0x3f: {  	[sflag:s23] =	ssyncset.done $0x0  }
0x40: {  	[sflag:s23] =	ssyncadd.s32 $0xFFFFC000  }
0x41: {  	[tilespmem:s25], [sflag:$0x2] =	stream.linear.gather [hbm4b:s16+s3], $0x4000, $0x38;
	[tilespmem:$0x1D000] =	vst v63  }
0x42: {  	_ =	swait.ge [sflag:s23], $0x4000  }
0x43: {  	[sflag:s23] =	ssyncset.done $0x0  }
0x44: {  	[sflag:s23] =	ssyncadd.s32 $0xFFFFC000  }
0x45: {  	[spmem:s17] =	stream.linear.scatter [tilespmem:s25], [sflag:$0x2], $0x4000, $0x38;
	[tilespmem:$0x1D000] =	vst v63  }
0x46: {  	_ =	swait.ge [sflag:s23], $0x4000  }
0x47: {  	[sflag:s23] =	ssyncset.done $0x0  }
0x48: {  	[sflag:s23] =	ssyncadd.s32 $0xFFFFC000  }
0x49: {  	s30 =	simm.s32 $0x0;
	[bflag:$0x0] =	sbarrier.arrive $0xFFFF  }
0x4a: {  	[tilespmem:s25], [sflag:$0x1] =	stream.indirect.gather [hbm4b:s4+s26], $0x80, s30, s26, $0xb8;
	[tilespmem:$0x1D000] =	vst v63  }
0x4b: {  	_ =	swait.ge [sflag:s28], $0x4000  }
0x4c: {  	[sflag:s28] =	ssyncset.done $0x0  }
0x4d: {  	s30 =	simm.s32 $0x2800;
	[sflag:s28] =	ssyncadd.s32 $0xFFFFC000  }
0x4e: {  	[spmem:s2] =	stream.indirect.scatter.add.f32 [tilespmem:s25], [sflag:$0x2], $0x80, s30, s26, $0xb8;
	[tilespmem:$0x1D000] =	vst v63  }
0x4f: {  	_ =	swait.ge [sflag:s23], $0x4000  }
0x50: {  	s31 =	simm.s32 $0x400;
	s30 =	simm.s32 $0x200;
	[sflag:s23] =	ssyncset.done $0x0  }
.LBB2_2:
0x51: {  	s1 =	sshra.s32 s30, $0x2  }
0x52: {  	[sflag:s23] =	ssyncadd.s32 $0xFFFFC000;
	s30 =	smov.u32 s31;
	s0 =	sadd.s32 $0x200, s31  }
0x53: {  	[tilespmem:s25], [sflag:$0x1] =	stream.indirect.gather [hbm4b:s4+s26], $0x80, s1, s26, $0xb8;
	[tilespmem:$0x1D000] =	vst v63  }
0x54: {  	p0 =	sne.s32 s31, $0x9C00;
	_ =	swait.ge [sflag:s28], $0x4000  }
.Ltmp0:
0x55: {  	[sflag:s28] =	ssyncset.done $0x0;
	(pc) =	sbr.rel @p0 .LBB2_2-.Ltmp0, $4  }
0x56: {  	s1 =	sadd.s32 $0x2800, s1;
	[sflag:s28] =	ssyncadd.s32 $0xFFFFC000  }
0x57: {  	[spmem:s2] =	stream.indirect.scatter.add.f32 [tilespmem:s25], [sflag:$0x2], $0x80, s1, s26, $0xb8;
	[tilespmem:$0x1D000] =	vst v63  }
0x58: {  	_ =	swait.ge [sflag:s23], $0x4000  }
0x59: {  	s31 =	smov.u32 s0;
	[sflag:s23] =	ssyncset.done $0x0  }
0x5a: {  	s0 =	sshra.s32 s30, $0x2;
	[sflag:s23] =	ssyncadd.s32 $0xFFFFC000  }
0x5b: {  	[tilespmem:s25], [sflag:$0x1] =	stream.indirect.gather [hbm4b:s4+s26], $0x80, s0, s26, $0xb8;
	[tilespmem:$0x1D000] =	vst v63  }
0x5c: {  	_ =	swait.ge [sflag:s28], $0x4000  }
0x5d: {  	[sflag:s28] =	ssyncset.done $0x0  }
0x5e: {  	s0 =	sadd.s32 $0x2800, s0;
	[sflag:s28] =	ssyncadd.s32 $0xFFFFC000  }
0x5f: {  	[spmem:s2] =	stream.indirect.scatter.add.f32 [tilespmem:s25], [sflag:$0x2], $0x80, s0, s26, $0xb8;
	[tilespmem:$0x1D000] =	vst v63  }
0x60: {  	_ =	swait.ge [sflag:s23], $0x4000  }
0x61: {  	[sflag:s23] =	ssyncset.done $0x0  }
0x62: {  	[sflag:s23] =	ssyncadd.s32 $0xFFFFC000  }
0x63: {  	[bflag:$0x0] =	sbarrier.arrive $0xFFFF  }
0x64: {  	[tilespmem:s25], [sflag:$0x2] =	stream.linear.gather [spmem:s7], $0x4000, $0x38;
	[tilespmem:$0x1D000] =	vst v63  }
0x65: {  	_ =	swait.ge [sflag:s23], $0x4000  }
0x66: {  	[sflag:s23] =	ssyncset.done $0x0  }
0x67: {  	[sflag:s23] =	ssyncadd.s32 $0xFFFFC000  }
0x68: {  	[hbm4b:s18+s3] =	stream.linear.scatter [tilespmem:s25], [sflag:$0x2], $0x4000, $0x38;
	[tilespmem:$0x1D000] =	vst v63  }
0x69: {  	_ =	swait.ge [sflag:s23], $0x4000  }
0x6a: {  	[sflag:s23] =	ssyncset.done $0x0  }
0x6b: {  	[sflag:s23] =	ssyncadd.s32 $0xFFFFC000  }
0x6c: {  	[tilespmem:s25], [sflag:$0x2] =	stream.linear.gather [spmem:s11], $0x4000, $0x38;
	[tilespmem:$0x1D000] =	vst v63  }
0x6d: {  	_ =	swait.ge [sflag:s23], $0x4000  }
0x6e: {  	[sflag:s23] =	ssyncset.done $0x0  }
0x6f: {  	[sflag:s23] =	ssyncadd.s32 $0xFFFFC000  }
0x70: {  	[hbm4b:s19+s3] =	stream.linear.scatter [tilespmem:s25], [sflag:$0x2], $0x4000, $0x38;
	[tilespmem:$0x1D000] =	vst v63  }
0x71: {  	_ =	swait.ge [sflag:s23], $0x4000  }
0x72: {  	[sflag:s23] =	ssyncset.done $0x0  }
0x73: {  	[sflag:s23] =	ssyncadd.s32 $0xFFFFC000  }
0x74: {  	[tilespmem:s25], [sflag:$0x2] =	stream.linear.gather [spmem:s13], $0x4000, $0x38;
	[tilespmem:$0x1D000] =	vst v63  }
0x75: {  	_ =	swait.ge [sflag:s23], $0x4000  }
0x76: {  	[sflag:s23] =	ssyncset.done $0x0  }
0x77: {  	[sflag:s23] =	ssyncadd.s32 $0xFFFFC000  }
0x78: {  	[hbm4b:s20+s3] =	stream.linear.scatter [tilespmem:s25], [sflag:$0x2], $0x4000, $0x38;
	[tilespmem:$0x1D000] =	vst v63  }
0x79: {  	_ =	swait.ge [sflag:s23], $0x4000  }
0x7a: {  	[sflag:s23] =	ssyncset.done $0x0  }
0x7b: {  	[sflag:s23] =	ssyncadd.s32 $0xFFFFC000  }
0x7c: {  	[tilespmem:s25], [sflag:$0x2] =	stream.linear.gather [spmem:s15], $0x4000, $0x38;
	[tilespmem:$0x1D000] =	vst v63  }
0x7d: {  	_ =	swait.ge [sflag:s23], $0x4000  }
0x7e: {  	[sflag:s23] =	ssyncset.done $0x0  }
0x7f: {  	[sflag:s23] =	ssyncadd.s32 $0xFFFFC000  }
0x80: {  	[hbm4b:s21+s3] =	stream.linear.scatter [tilespmem:s25], [sflag:$0x2], $0x4000, $0x38;
	[tilespmem:$0x1D000] =	vst v63  }
0x81: {  	_ =	swait.ge [sflag:s23], $0x4000  }
0x82: {  	[sflag:s23] =	ssyncset.done $0x0  }
0x83: {  	[sflag:s23] =	ssyncadd.s32 $0xFFFFC000  }
0x84: {  	[tilespmem:s25], [sflag:$0x2] =	stream.linear.gather [spmem:s17], $0x4000, $0x38;
	[tilespmem:$0x1D000] =	vst v63  }
0x85: {  	s29 =	sadd.s32 $0x1, s29;
	_ =	swait.ge [sflag:s23], $0x4000  }
0x86: {  	p0 =	sne.s32 s29, s8;
	[sflag:s23] =	ssyncset.done $0x0  }
.Ltmp1:
0x87: {  	[sflag:s23] =	ssyncadd.s32 $0xFFFFC000;
	(pc) =	sbr.rel @p0 .LBB2_1-.Ltmp1, $4  }
0x88: {  	[hbm4b:s22+s3] =	stream.linear.scatter [tilespmem:s25], [sflag:$0x2], $0x4000, $0x38;
	[tilespmem:$0x1D000] =	vst v63  }
0x89: {  	_ =	swait.ge [sflag:s23], $0x4000  }
0x8a: {  	[sflag:s23] =	ssyncset.done $0x0  }
0x8b: {  	[sflag:s23] =	ssyncadd.s32 $0xFFFFC000  }
0x8c: {  	_ =	sfence.sel $0x180000  }
0x8d: {  	[bflag:$0x0] =	sbarrier.arrive $0xFFFF  }
0x8e: {  	_ =	strace $0x9000004A  }
0x8f: {  	s0 =	stileid.u32;
	[bflag:$0x2] =	sbarrier.arrive $0xFFFF  }
0x90: {  	p0 =	sne.s32 s0, $0x0;
	s0 =	rddreg [dreg:$0x2]  }
0x91: {  	s0 =	sadd.s32 @!p0 $0x100000, s0  }
0x92: {  	[sflag:s0] =	ssyncadd.tile.s32 @!p0 $0x1;
	_ =	shalt  }
.Lfunc_end2:
_tile_overlayer_lowered:
.L_overlay_start_2:
0x93: {  	(tag) =	ssettag $0x2  }
0x94: {  	s0 =	rddreg [dreg:$0x0];
	s2 =	stileid.u32  }
0x95: {  	s1 =	rddreg [dreg:$0x1];
	p0 =	sne.s32 s2, $0x0  }
0x96: {  	s3 =	rddreg [dreg:$0x2];
	[bflag:$0x3] =	sbarrier.arrive $0xFFFF;
	s2 =	simm.s32 @!p0 $0x1C02  }
0x97: {  	[timem:s3], [sflag:s2] =	dma.local @!p0 [hbm:s0], s1  }
0x98: {  	s0 =	simm.s32 @!p0 $0x2  }
0x99: {  	_ =	swait.ge @!p0 [sflag:s0], s1  }
0x9a: {  	s1 =	ssub.s32 @!p0 $0x0, s1;
	[sflag:s0] =	ssyncset.done @!p0 $0x0  }
0x9b: {  	[sflag:s0] =	ssyncadd.s32 @!p0 s1  }
0x9c: {  	[bflag:$0x3] =	sbarrier.arrive $0xFFFF  }
0x9d: {  	_ =	shalt  }

// kernel: kernel.14.cloned.1.call-start
scs
__scs_entry_jumppad:
0x0: {  	(pc) =	sbr.rel $0x88, $3  }
0x1: {  	(tag) =	ssettag $0x0;
	lr =	simm.s32 $0x1  }
0x2: {  	[smem:$0x3F98] =	sst lr;
	_ =	strace $0xD0000000  }
0x3: {  	_ = 	snop  }
0x4: {  	_ = 	snop  }
0x5: {  	_ = 	snop  }
0x6: {  	_ = 	snop  }
0x7: {  	_ = 	snop  }
__scs_overlays_trampoline_lowered:
0x8: {  	[smem:$0x3FA7] =	sst s0  }
0x9: {  	[smem:$0x3FA8] =	sst s1  }
0xa: {  	[smem:$0x3FA9] =	sst s2  }
0xb: {  	[smem:$0x3FAA] =	sst s3  }
0xc: {  	[smem:$0x3FAB] =	sst s4  }
0xd: {  	[smem:$0x3FAC] =	sst s5  }
0xe: {  	[smem:$0x3FAD] =	sst s6  }
0xf: {  	[smem:$0x3FAE] =	sst s7  }
0x10: {  	[smem:$0x3FAF] =	sst s8  }
0x11: {  	[smem:$0x3FB0] =	sst s9;
	s0 =	simm.s32 @!p0 $0x0  }
0x12: {  	s1 =	sld [smem:$0x3F96];
	s0 =	simm.s32 @p0 $0x1  }
0x13: {  	[smem:$0x3FB1] =	sst s0;
	s0 =	simm.s32 @!p1 $0x0  }
0x14: {  	s2 =	sld [smem:$0x3F95];
	s0 =	simm.s32 @p1 $0x1  }
0x15: {  	[smem:$0x3FB2] =	sst s0;
	s0 =	simm.s32 @!p2 $0x0  }
0x16: {  	s3 =	sld [smem:$0x3FDB];
	s0 =	simm.s32 @p2 $0x1  }
0x17: {  	s4 =	simm.s32 $0x1BF5;
	[smem:$0x3FB4] =	sst s0  }
0x18: {  	s0 =	sld [smem:$0x3F97];
	_ =	swait.ge [sflag:s4], $0x0  }
0x19: {  	s7 =	sld [smem:$0x3F98]  }
0x1a: {  	s8 =	sadd.s32 $0xFFFFE003, lr  }
0x1b: {  	s9 =	sadd.s32 $0xFFFFFEF7, lr;
	s5 =	simm.s32 $0xFFFFFFFF;
	p2 =	slt.u32 s8, $0xFFFFF086  }
0x1c: {  	p1 =	slt.u32 s9, $0xF7A;
	s5 =	simm.s32 @!p2 $0x0  }
0x1d: {  	s5 =	simm.s32 @p1 $0x1;
	p0 =	seq.s32 s7, s2  }
0x1e: {  	s7 =	smul.u32 @!p0 $0xF7A, s2;
	p2 =	seq.s32 @!p0 s5, $0x0  }
0x1f: {  	s9 =	smul.u32 $0xF7A, s1;
	s8 =	simm.s32 @!p0 $0x1BF5;
	p2 =	por !p2, p0  }
0x20: {  	[sflag:s8] =	ssyncset.s32 @!p0 $0xFFFFF086;
	s6 =	sadd.s32 @!p0 s3, s7;
	s7 =	simm.s32 @!p0 $0x108  }
0x21: {  	s3 =	sadd.s32 s3, s9;
	s6 =	sadd.s32 @!p0 $0x88, s6;
	s7 =	simm.s32 @p2 $0x1082  }
0x22: {  	[simem:s7], [sflag:s8] =	dma.local @!p0 [hbm:s6], $0xF7A  }
0x23: {  	s9 =	sor.u32 $0xD0000000, s2;
	s6 =	simm.s32 $0x108;
	_ =	swait.ge @!p0 [sflag:s8], $0x0  }
0x24: {  	s3 =	sadd.s32 $0x88, s3;
	s6 =	simm.s32 @!p1 $0x1082;
	[sflag:s4] =	ssyncset.s32 $0xFFFFF086  }
0x25: {  	[simem:s6], [sflag:s4] =	dma.local [hbm:s3], $0xF7A  }
0x26: {  	[smem:$0x3F98] =	sst s1;
	(tag) =	ssettag s2;
	_ =	strace s9  }
0x27: {  	s1 =	sld [smem:$0x3FA8]  }
0x28: {  	s2 =	sld [smem:$0x3FA9]  }
0x29: {  	s4 =	sld [smem:$0x3FAB]  }
0x2a: {  	p0 =	seq.s32 s5, $0x0;
	s5 =	sld [smem:$0x3FAC]  }
0x2b: {  	s6 =	sld [smem:$0x3FAD]  }
0x2c: {  	s7 =	sld [smem:$0x3FAE]  }
0x2d: {  	s3 =	simm.s32 $0x108;
	s8 =	sld [smem:$0x3FAF]  }
0x2e: {  	s3 =	simm.s32 @!p0 $0x1082;
	s9 =	sld [smem:$0x3FB0]  }
0x2f: {  	lr =	sadd.s32 s0, s3;
	s0 =	sld [smem:$0x3FA7]  }
0x30: {  	s3 =	sld [smem:$0x3FAA]  }
0x31: {  	[smem:$0x3FB3] =	sst s10  }
0x32: {  	s10 =	sld [smem:$0x3FB1];
	_ =	sdelay $0x3  }
0x33: {  	p0 =	seq.s32 s10, $0x1;
	s10 =	sld [smem:$0x3FB3];
	_ =	sdelay $0x3  }
0x34: {  	[smem:$0x3FB3] =	sst s10  }
0x35: {  	s10 =	sld [smem:$0x3FB2];
	_ =	sdelay $0x3  }
0x36: {  	p1 =	seq.s32 s10, $0x1;
	s10 =	sld [smem:$0x3FB3];
	_ =	sdelay $0x3  }
0x37: {  	[smem:$0x3FB3] =	sst s10  }
0x38: {  	s10 =	sld [smem:$0x3FB4]  }
0x39: {  	_ = 	snop;
	(pc) =	sbr.ind lr, $3  }
0x3a: {  	_ = 	snop  }
0x3b: {  	_ = 	snop  }
0x3c: {  	p2 =	seq.s32 s10, $0x1;
	s10 =	sld [smem:$0x3FB3]  }
0x3d: {  	_ =	shalt  }
0x3e: {  	_ =	shalt  }
0x3f: {  	_ =	shalt  }
0x40: {  	_ =	shalt  }
0x41: {  	_ =	shalt  }
0x42: {  	_ =	shalt  }
0x43: {  	_ =	shalt  }
0x44: {  	_ =	shalt  }
0x45: {  	_ =	shalt  }
0x46: {  	_ =	shalt  }
0x47: {  	_ =	shalt  }
0x48: {  	_ =	shalt  }
0x49: {  	_ =	shalt  }
0x4a: {  	_ =	shalt  }
0x4b: {  	_ =	shalt  }
0x4c: {  	_ =	shalt  }
0x4d: {  	_ =	shalt  }
0x4e: {  	_ =	shalt  }
0x4f: {  	_ =	shalt  }
0x50: {  	_ =	shalt  }
0x51: {  	_ =	shalt  }
0x52: {  	_ =	shalt  }
0x53: {  	_ =	shalt  }
0x54: {  	_ =	shalt  }
0x55: {  	_ =	shalt  }
0x56: {  	_ =	shalt  }
0x57: {  	_ =	shalt  }
0x58: {  	_ =	shalt  }
0x59: {  	_ =	shalt  }
0x5a: {  	_ =	shalt  }
0x5b: {  	_ =	shalt  }
0x5c: {  	_ =	shalt  }
0x5d: {  	_ =	shalt  }
0x5e: {  	_ =	shalt  }
0x5f: {  	_ =	shalt  }
0x60: {  	_ =	shalt  }
0x61: {  	_ =	shalt  }
0x62: {  	_ =	shalt  }
0x63: {  	_ =	shalt  }
0x64: {  	_ =	shalt  }
0x65: {  	_ =	shalt  }
0x66: {  	_ =	shalt  }
0x67: {  	_ =	shalt  }
0x68: {  	_ =	shalt  }
0x69: {  	_ =	shalt  }
0x6a: {  	_ =	shalt  }
0x6b: {  	_ =	shalt  }
0x6c: {  	_ =	shalt  }
0x6d: {  	_ =	shalt  }
0x6e: {  	_ =	shalt  }
0x6f: {  	_ =	shalt  }
0x70: {  	_ =	shalt  }
0x71: {  	_ =	shalt  }
0x72: {  	_ =	shalt  }
0x73: {  	_ =	shalt  }
0x74: {  	_ =	shalt  }
0x75: {  	_ =	shalt  }
0x76: {  	_ =	shalt  }
0x77: {  	_ =	shalt  }
0x78: {  	_ =	shalt  }
0x79: {  	_ =	shalt  }
0x7a: {  	_ =	shalt  }
0x7b: {  	_ =	shalt  }
0x7c: {  	_ =	shalt  }
0x7d: {  	_ =	shalt  }
0x7e: {  	_ =	shalt  }
0x7f: {  	_ =	shalt  }
0x80: {  	_ =	shalt  }
0x81: {  	_ =	shalt  }
0x82: {  	_ =	shalt  }
0x83: {  	_ =	shalt  }
0x84: {  	_ =	shalt  }
0x85: {  	_ =	shalt  }
0x86: {  	_ =	shalt  }
0x87: {  	_ =	shalt  }
.Lfunc_end0:
.L_simem_size_0:
called_computation.2_lowered:
.L_overlay_start_0:
0x88: {  	s2 =	sld [smem:$0x3FD9]  }
0x89: {  	s3 =	sld [smem:$0x3FFE];
	_ =	sdelay $0x1  }
0x8a: {  	s1 =	srdreg.scid  }
0x8b: {  	s0 =	sand.u32 $0x1, s1  }
0x8c: {  	s16 =	sshll.u32 s0, $0xA;
	s2 =	sadd.s32 s3, s2  }
0x8d: {  	s2 =	sadd.s32 s2, s16  }
0x8e: {  	[smem:$0x3FBF] =	sst s2  }
0x8f: {  	_ = 	snop  }
0x90: {  	(tm) =	ssettm $0x1  }
0x91: {  	s17 =	sld [smem:$0x3FFB];
	_ =	sdelay $0x3  }
0x92: {  	_ =	strace s17  }
0x93: {  	s2 =	sld [smem:$0x3FFC];
	_ =	sdelay $0x3  }
0x94: {  	_ =	strace s2  }
0x95: {  	s2 =	sld [smem:$0x3FFD];
	_ =	sdelay $0x3  }
0x96: {  	_ =	strace s2  }
0x97: {  	_ =	strace $0x8FFFFFFF  }
0x98: {  	s18 =	sld [smem:$0x3FDB];
	_ =	sdelay $0x1  }
0x99: {  	s19 =	simm.s32 $_scs_section_size  }
0x9a: {  	s4 =	simm.s32 $_size__tile_overlayer_lowered;
	s5 =	simm.s32 $_tile_overlayer_lowered  }
0x9b: {  	s22 =	simm.s32 $0x1BFF;
	s21 =	sshll.u32 s5, $0x1;
	s2 =	sadd.s32 s19, s18  }
0x9c: {  	s6 =	simm.s32 $0x0;
	s20 =	sshll.u32 s4, $0x1;
	s4 =	sadd.s32 s21, s2  }
0x9d: {  	[timem:s6], [sflag:s22] =	dma.local [hbm:s4], s20  }
0x9e: {  	_ =	swait.ge [sflag:s22], s20  }
0x9f: {  	s3 =	ssub.s32 $0x0, s20;
	[sflag:s22] =	ssyncset.done $0x0  }
0xa0: {  	[sflag:s22] =	ssyncadd.s32 s3;
	_ =	sdelay $0x1  }
0xa1: {  	s23 =	simm.s32 $0x1B8B  }
0xa2: {  	_ =	swait.ge [sflag:s23], $0x1  }
0xa3: {  	[sflag:s23] =	ssyncset.done $0x0  }
0xa4: {  	s25 =	simm.s32 $0x1B8E;
	s24 =	sld [smem:$0x3FFE];
	[sflag:s23] =	ssyncadd.s32 $0xFFFFFFFF  }
0xa5: {  	s26 =	simm.s32 $execute0_lowered;
	[smem:$0x3FD2] =	sst s25  }
0xa6: {  	s4 =	sshll.u32 s26, $0x1;
	_ =	strace $0x8000004C;
	[dreg:$0x1] =	wrdreg $0xFFFFFFFF  }
0xa7: {  	s28 =	simm.s32 $_size_execute0_lowered;
	s2 =	sadd.s32 s2, s4;
	[dreg:$0x0] =	wrdreg $0x0  }
0xa8: {  	s4 =	sshll.u32 s28, $0x1;
	[dreg:$0x2] =	wrdreg s2  }
0xa9: {  	[dreg:$0x3] =	wrdreg s4  }
0xaa: {  	[dreg:$0x4] =	wrdreg $0xC0  }
0xab: {  	_ =	task [dreg:s6], $0x5FFFF  }
0xac: {  	[dreg:$0x1] =	wrdreg $0xFFFFFFFF  }
0xad: {  	[dreg:$0x0] =	wrdreg $0x60  }
0xae: {  	[dreg:$0x2] =	wrdreg s24  }
0xaf: {  	[dreg:$0x3] =	wrdreg $0x90000  }
0xb0: {  	[dreg:$0x4] =	wrdreg $0x9  }
0xb1: {  	_ =	task.clear_ibuf [dreg:s6], $0x5FFFF;
	_ =	strace $0x9000004C  }
0xb2: {  	s29 =	simm.s32 $0x9;
	_ =	strace $0x8000004E  }
0xb3: {  	_ =	swait.ge [sflag:s29], $0x1  }
0xb4: {  	[sflag:s29] =	ssyncadd.s32 $0xFFFFFFFF  }
0xb5: {  	_ =	strace $0x9000004E  }
0xb6: {  	_ =	sfence  }
0xb7: {  	s30 =	sld [smem:$0x0];
	_ =	sdelay $0x2  }
0xb8: {  	s31 =	sshll.u32 s1, $0xD;
	s1 =	sshrl.u32 s1, $0x2  }
0xb9: {  	s3 =	sand.u32 $0x4000, s31;
	s1 =	sadd.s32 s1, s30  }
0xba: {  	s0 =	sor.u32 s3, s0;
	s1 =	sshll.u32 s1, $0x11  }
0xbb: {  	s0 =	sor.u32 s1, s0  }
0xbc: {  	s0 =	sadd.s32 $0x8F2B, s0  }
0xbd: {  	[sflag:s0] =	ssyncadd.remote.s32 $0x1  }
0xbe: {  	_ =	sfence.sel $0xFFFF  }
0xbf: {  	[dreg:$0x0] =	wrdreg $0xFFFFFFFF;
	(pc) =	sbr.abs _section_cstart, $3  }
0xc0: {  	[dreg:$0x1] =	wrdreg $0xFFFFFFFF  }
0xc1: {  	_ =	task.clear_ibuf [dreg:s6], $0x2FFFF;
	_ =	strace $0x9FFFFFFF  }
0xc2: {  	(tm) =	ssettm $0x7FFFFFFF  }
0xc3: {  	_ =	shalt  }
tec
execute0_lowered:
.L_overlay_start_1:
0x0: {  	(tag) =	ssettag $0x1  }
0x1: {  	s5 =	rddreg [dreg:$0x0]  }
0x2: {  	s1 =	srdreg.scid;
	s0 =	stileid.u32  }
0x3: {  	s2 =	rddreg [dreg:$0x1];
	s3 =	simm.s32 $0x0;
	s14 =	smul.u32 $0x280, s0  }
0x4: {  	s28 =	simm.s32 $0x1;
	s29 =	simm.s32 $0x0;
	s9 =	smul.u32 $0x50000, s0  }
0x5: {  	s6 =	sand.u32 $0x1, s1;
	s4 =	sshll.u32 s0, $0x1;
	s25 =	smul.u32 $0x2800, s0  }
0x6: {  	[smem:$0x7FF] =	sst s3;
	s22 =	sadd.s32 $0x66200, s5;
	s19 =	smul.u32 $0x14000, s0  }
0x7: {  	s4 =	sor.u32 s6, s4;
	_ =	strace $0x8000004D;
	s20 =	smul.u32 $0x140000, s6  }
0x8: {  	s8 =	ssub.s32 $0x2, s6;
	s7 =	smul.u32 $0x500, s4;
	s4 =	sadd.s32 $0xC200, s5  }
0x9: {  	s23 =	sshrl.u32 s8, $0x1;
	s24 =	sshrl.u32 s9, $0x2;
	s10 =	sadd.s32 $0x80, s14  }
0xa: {  	s12 =	sadd.s32 $0x100, s14;
	s15 =	sadd.s32 $0x180, s14;
	s18 =	sadd.s32 $0x200, s14  }
0xb: {  	s8 =	ssub.s32 s8, s23;
	s9 =	sadd.s32 s4, s25;
	s11 =	sshll.u32 s10, $0x4  }
0xc: {  	s17 =	sshll.u32 s10, $0x7;
	s13 =	sshll.u32 s12, $0x4;
	s21 =	sshll.u32 s12, $0x7  }
0xd: {  	s16 =	sshll.u32 s15, $0x4;
	s23 =	sshll.u32 s15, $0x7;
	s26 =	sshll.u32 s18, $0x4  }
0xe: {  	s19 =	sadd.s32 s20, s19;
	s25 =	simm.s32 $0x5000;
	s7 =	sadd.s32 s7, s5  }
0xf: {  	s8 =	smax.u32 s8, $0x1;
	s10 =	sadd.s32 s4, s11;
	s11 =	sadd.s32 s17, s2  }
0x10: {  	s12 =	sadd.s32 s4, s13;
	s13 =	sadd.s32 s21, s2;
	s14 =	sadd.s32 s4, s16  }
0x11: {  	s15 =	sadd.s32 s23, s2;
	s16 =	sadd.s32 s4, s26;
	s17 =	sadd.s32 s20, s17  }
0x12: {  	s30 =	sshrl.u32 s19, $0x3;
	s21 =	sadd.s32 s20, s21;
	s23 =	sadd.s32 s20, s23  }
0x13: {  	s26 =	simm.s32 $0x80;
	s5 =	sadd.s32 $0x5C200, s7;
	s6 =	sadd.s32 $0x2200, s7  }
0x14: {  	s7 =	sadd.s32 s24, s2;
	s24 =	sshll.u32 s18, $0x7;
	s31 =	sshrl.u32 s17, $0x3  }
0x15: {  	s18 =	sadd.s32 s22, s30;
	s21 =	sshrl.u32 s21, $0x3;
	s23 =	sshrl.u32 s23, $0x3  }
0x16: {  	s17 =	sadd.s32 s24, s2;
	s19 =	sadd.s32 s22, s31;
	s20 =	sadd.s32 s20, s24  }
0x17: {  	s24 =	sshrl.u32 s20, $0x3;
	s20 =	sadd.s32 s22, s21;
	s21 =	sadd.s32 s22, s23  }
0x18: {  	s23 =	simm.s32 $0x2;
	s22 =	sadd.s32 s22, s24;
	s24 =	simm.s32 $0x2800  }
.LBB2_1:
0x19: {  	[tilespmem:s3], [sflag:$0x2] =	stream.linear.gather [hbm4b:s5+s3], $0x2780, $0x38;
	[tilespmem:$0x1D000] =	vst v63  }
0x1a: {  	_ =	swait.ge [sflag:s23], $0x2780  }
0x1b: {  	[sflag:s23] =	ssyncset.done $0x0  }
0x1c: {  	[sflag:s23] =	ssyncadd.s32 $0xFFFFD880  }
0x1d: {  	[tilespmem:s24], [sflag:$0x2] =	stream.linear.gather [hbm4b:s6+s3], $0x2780, $0x38;
	[tilespmem:$0x1D000] =	vst v63  }
0x1e: {  	_ =	swait.ge [sflag:s23], $0x2780  }
0x1f: {  	[sflag:s23] =	ssyncset.done $0x0  }
0x20: {  	[sflag:s23] =	ssyncadd.s32 $0xFFFFD880  }
0x21: {  	[tilespmem:s25], [sflag:$0x2] =	stream.linear.gather [hbm4b:s9+s3], $0x4000, $0x38;
	[tilespmem:$0x1D000] =	vst v63  }
0x22: {  	_ =	swait.ge [sflag:s23], $0x4000  }
0x23: {  	[sflag:s23] =	ssyncset.done $0x0  }
0x24: {  	[sflag:s23] =	ssyncadd.s32 $0xFFFFC000  }
0x25: {  	[spmem:s7] =	stream.linear.scatter [tilespmem:s25], [sflag:$0x2], $0x4000, $0x38;
	[tilespmem:$0x1D000] =	vst v63  }
0x26: {  	_ =	swait.ge [sflag:s23], $0x4000  }
0x27: {  	[sflag:s23] =	ssyncset.done $0x0  }
0x28: {  	[sflag:s23] =	ssyncadd.s32 $0xFFFFC000  }
0x29: {  	[tilespmem:s25], [sflag:$0x2] =	stream.linear.gather [hbm4b:s10+s3], $0x4000, $0x38;
	[tilespmem:$0x1D000] =	vst v63  }
0x2a: {  	_ =	swait.ge [sflag:s23], $0x4000  }
0x2b: {  	[sflag:s23] =	ssyncset.done $0x0  }
0x2c: {  	[sflag:s23] =	ssyncadd.s32 $0xFFFFC000  }
0x2d: {  	[spmem:s11] =	stream.linear.scatter [tilespmem:s25], [sflag:$0x2], $0x4000, $0x38;
	[tilespmem:$0x1D000] =	vst v63  }
0x2e: {  	_ =	swait.ge [sflag:s23], $0x4000  }
0x2f: {  	[sflag:s23] =	ssyncset.done $0x0  }
0x30: {  	[sflag:s23] =	ssyncadd.s32 $0xFFFFC000  }
0x31: {  	[tilespmem:s25], [sflag:$0x2] =	stream.linear.gather [hbm4b:s12+s3], $0x4000, $0x38;
	[tilespmem:$0x1D000] =	vst v63  }
0x32: {  	_ =	swait.ge [sflag:s23], $0x4000  }
0x33: {  	[sflag:s23] =	ssyncset.done $0x0  }
0x34: {  	[sflag:s23] =	ssyncadd.s32 $0xFFFFC000  }
0x35: {  	[spmem:s13] =	stream.linear.scatter [tilespmem:s25], [sflag:$0x2], $0x4000, $0x38;
	[tilespmem:$0x1D000] =	vst v63  }
0x36: {  	_ =	swait.ge [sflag:s23], $0x4000  }
0x37: {  	[sflag:s23] =	ssyncset.done $0x0  }
0x38: {  	[sflag:s23] =	ssyncadd.s32 $0xFFFFC000  }
0x39: {  	[tilespmem:s25], [sflag:$0x2] =	stream.linear.gather [hbm4b:s14+s3], $0x4000, $0x38;
	[tilespmem:$0x1D000] =	vst v63  }
0x3a: {  	_ =	swait.ge [sflag:s23], $0x4000  }
0x3b: {  	[sflag:s23] =	ssyncset.done $0x0  }
0x3c: {  	[sflag:s23] =	ssyncadd.s32 $0xFFFFC000  }
0x3d: {  	[spmem:s15] =	stream.linear.scatter [tilespmem:s25], [sflag:$0x2], $0x4000, $0x38;
	[tilespmem:$0x1D000] =	vst v63  }
0x3e: {  	_ =	swait.ge [sflag:s23], $0x4000  }
0x3f: {  	[sflag:s23] =	ssyncset.done $0x0  }
0x40: {  	[sflag:s23] =	ssyncadd.s32 $0xFFFFC000  }
0x41: {  	[tilespmem:s25], [sflag:$0x2] =	stream.linear.gather [hbm4b:s16+s3], $0x4000, $0x38;
	[tilespmem:$0x1D000] =	vst v63  }
0x42: {  	_ =	swait.ge [sflag:s23], $0x4000  }
0x43: {  	[sflag:s23] =	ssyncset.done $0x0  }
0x44: {  	[sflag:s23] =	ssyncadd.s32 $0xFFFFC000  }
0x45: {  	[spmem:s17] =	stream.linear.scatter [tilespmem:s25], [sflag:$0x2], $0x4000, $0x38;
	[tilespmem:$0x1D000] =	vst v63  }
0x46: {  	_ =	swait.ge [sflag:s23], $0x4000  }
0x47: {  	[sflag:s23] =	ssyncset.done $0x0  }
0x48: {  	[sflag:s23] =	ssyncadd.s32 $0xFFFFC000  }
0x49: {  	s30 =	simm.s32 $0x0;
	[bflag:$0x0] =	sbarrier.arrive $0xFFFF  }
0x4a: {  	[tilespmem:s25], [sflag:$0x1] =	stream.indirect.gather [hbm4b:s4+s26], $0x80, s30, s26, $0xb8;
	[tilespmem:$0x1D000] =	vst v63  }
0x4b: {  	_ =	swait.ge [sflag:s28], $0x4000  }
0x4c: {  	[sflag:s28] =	ssyncset.done $0x0  }
0x4d: {  	s30 =	simm.s32 $0x2800;
	[sflag:s28] =	ssyncadd.s32 $0xFFFFC000  }
0x4e: {  	[spmem:s2] =	stream.indirect.scatter.add.f32 [tilespmem:s25], [sflag:$0x2], $0x80, s30, s26, $0xb8;
	[tilespmem:$0x1D000] =	vst v63  }
0x4f: {  	_ =	swait.ge [sflag:s23], $0x4000  }
0x50: {  	s31 =	simm.s32 $0x400;
	s30 =	simm.s32 $0x200;
	[sflag:s23] =	ssyncset.done $0x0  }
.LBB2_2:
0x51: {  	s1 =	sshra.s32 s30, $0x2  }
0x52: {  	[sflag:s23] =	ssyncadd.s32 $0xFFFFC000;
	s30 =	smov.u32 s31;
	s0 =	sadd.s32 $0x200, s31  }
0x53: {  	[tilespmem:s25], [sflag:$0x1] =	stream.indirect.gather [hbm4b:s4+s26], $0x80, s1, s26, $0xb8;
	[tilespmem:$0x1D000] =	vst v63  }
0x54: {  	p0 =	sne.s32 s31, $0x9C00;
	_ =	swait.ge [sflag:s28], $0x4000  }
.Ltmp0:
0x55: {  	[sflag:s28] =	ssyncset.done $0x0;
	(pc) =	sbr.rel @p0 .LBB2_2-.Ltmp0, $4  }
0x56: {  	s1 =	sadd.s32 $0x2800, s1;
	[sflag:s28] =	ssyncadd.s32 $0xFFFFC000  }
0x57: {  	[spmem:s2] =	stream.indirect.scatter.add.f32 [tilespmem:s25], [sflag:$0x2], $0x80, s1, s26, $0xb8;
	[tilespmem:$0x1D000] =	vst v63  }
0x58: {  	_ =	swait.ge [sflag:s23], $0x4000  }
0x59: {  	s31 =	smov.u32 s0;
	[sflag:s23] =	ssyncset.done $0x0  }
0x5a: {  	s0 =	sshra.s32 s30, $0x2;
	[sflag:s23] =	ssyncadd.s32 $0xFFFFC000  }
0x5b: {  	[tilespmem:s25], [sflag:$0x1] =	stream.indirect.gather [hbm4b:s4+s26], $0x80, s0, s26, $0xb8;
	[tilespmem:$0x1D000] =	vst v63  }
0x5c: {  	_ =	swait.ge [sflag:s28], $0x4000  }
0x5d: {  	[sflag:s28] =	ssyncset.done $0x0  }
0x5e: {  	s0 =	sadd.s32 $0x2800, s0;
	[sflag:s28] =	ssyncadd.s32 $0xFFFFC000  }
0x5f: {  	[spmem:s2] =	stream.indirect.scatter.add.f32 [tilespmem:s25], [sflag:$0x2], $0x80, s0, s26, $0xb8;
	[tilespmem:$0x1D000] =	vst v63  }
0x60: {  	_ =	swait.ge [sflag:s23], $0x4000  }
0x61: {  	[sflag:s23] =	ssyncset.done $0x0  }
0x62: {  	[sflag:s23] =	ssyncadd.s32 $0xFFFFC000  }
0x63: {  	[bflag:$0x0] =	sbarrier.arrive $0xFFFF  }
0x64: {  	[tilespmem:s25], [sflag:$0x2] =	stream.linear.gather [spmem:s7], $0x4000, $0x38;
	[tilespmem:$0x1D000] =	vst v63  }
0x65: {  	_ =	swait.ge [sflag:s23], $0x4000  }
0x66: {  	[sflag:s23] =	ssyncset.done $0x0  }
0x67: {  	[sflag:s23] =	ssyncadd.s32 $0xFFFFC000  }
0x68: {  	[hbm4b:s18+s3] =	stream.linear.scatter [tilespmem:s25], [sflag:$0x2], $0x4000, $0x38;
	[tilespmem:$0x1D000] =	vst v63  }
0x69: {  	_ =	swait.ge [sflag:s23], $0x4000  }
0x6a: {  	[sflag:s23] =	ssyncset.done $0x0  }
0x6b: {  	[sflag:s23] =	ssyncadd.s32 $0xFFFFC000  }
0x6c: {  	[tilespmem:s25], [sflag:$0x2] =	stream.linear.gather [spmem:s11], $0x4000, $0x38;
	[tilespmem:$0x1D000] =	vst v63  }
0x6d: {  	_ =	swait.ge [sflag:s23], $0x4000  }
0x6e: {  	[sflag:s23] =	ssyncset.done $0x0  }
0x6f: {  	[sflag:s23] =	ssyncadd.s32 $0xFFFFC000  }
0x70: {  	[hbm4b:s19+s3] =	stream.linear.scatter [tilespmem:s25], [sflag:$0x2], $0x4000, $0x38;
	[tilespmem:$0x1D000] =	vst v63  }
0x71: {  	_ =	swait.ge [sflag:s23], $0x4000  }
0x72: {  	[sflag:s23] =	ssyncset.done $0x0  }
0x73: {  	[sflag:s23] =	ssyncadd.s32 $0xFFFFC000  }
0x74: {  	[tilespmem:s25], [sflag:$0x2] =	stream.linear.gather [spmem:s13], $0x4000, $0x38;
	[tilespmem:$0x1D000] =	vst v63  }
0x75: {  	_ =	swait.ge [sflag:s23], $0x4000  }
0x76: {  	[sflag:s23] =	ssyncset.done $0x0  }
0x77: {  	[sflag:s23] =	ssyncadd.s32 $0xFFFFC000  }
0x78: {  	[hbm4b:s20+s3] =	stream.linear.scatter [tilespmem:s25], [sflag:$0x2], $0x4000, $0x38;
	[tilespmem:$0x1D000] =	vst v63  }
0x79: {  	_ =	swait.ge [sflag:s23], $0x4000  }
0x7a: {  	[sflag:s23] =	ssyncset.done $0x0  }
0x7b: {  	[sflag:s23] =	ssyncadd.s32 $0xFFFFC000  }
0x7c: {  	[tilespmem:s25], [sflag:$0x2] =	stream.linear.gather [spmem:s15], $0x4000, $0x38;
	[tilespmem:$0x1D000] =	vst v63  }
0x7d: {  	_ =	swait.ge [sflag:s23], $0x4000  }
0x7e: {  	[sflag:s23] =	ssyncset.done $0x0  }
0x7f: {  	[sflag:s23] =	ssyncadd.s32 $0xFFFFC000  }
0x80: {  	[hbm4b:s21+s3] =	stream.linear.scatter [tilespmem:s25], [sflag:$0x2], $0x4000, $0x38;
	[tilespmem:$0x1D000] =	vst v63  }
0x81: {  	_ =	swait.ge [sflag:s23], $0x4000  }
0x82: {  	[sflag:s23] =	ssyncset.done $0x0  }
0x83: {  	[sflag:s23] =	ssyncadd.s32 $0xFFFFC000  }
0x84: {  	[tilespmem:s25], [sflag:$0x2] =	stream.linear.gather [spmem:s17], $0x4000, $0x38;
	[tilespmem:$0x1D000] =	vst v63  }
0x85: {  	s29 =	sadd.s32 $0x1, s29;
	_ =	swait.ge [sflag:s23], $0x4000  }
0x86: {  	p0 =	sne.s32 s29, s8;
	[sflag:s23] =	ssyncset.done $0x0  }
.Ltmp1:
0x87: {  	[sflag:s23] =	ssyncadd.s32 $0xFFFFC000;
	(pc) =	sbr.rel @p0 .LBB2_1-.Ltmp1, $4  }
0x88: {  	[hbm4b:s22+s3] =	stream.linear.scatter [tilespmem:s25], [sflag:$0x2], $0x4000, $0x38;
	[tilespmem:$0x1D000] =	vst v63  }
0x89: {  	_ =	swait.ge [sflag:s23], $0x4000  }
0x8a: {  	[sflag:s23] =	ssyncset.done $0x0  }
0x8b: {  	[sflag:s23] =	ssyncadd.s32 $0xFFFFC000  }
0x8c: {  	_ =	sfence.sel $0x180000  }
0x8d: {  	[bflag:$0x0] =	sbarrier.arrive $0xFFFF  }
0x8e: {  	_ =	strace $0x9000004D  }
0x8f: {  	s0 =	stileid.u32;
	[bflag:$0x2] =	sbarrier.arrive $0xFFFF  }
0x90: {  	p0 =	sne.s32 s0, $0x0;
	s0 =	rddreg [dreg:$0x2]  }
0x91: {  	s0 =	sadd.s32 @!p0 $0x100000, s0  }
0x92: {  	[sflag:s0] =	ssyncadd.tile.s32 @!p0 $0x1;
	_ =	shalt  }
.Lfunc_end2:
_tile_overlayer_lowered:
.L_overlay_start_2:
0x93: {  	(tag) =	ssettag $0x2  }
0x94: {  	s0 =	rddreg [dreg:$0x0];
	s2 =	stileid.u32  }
0x95: {  	s1 =	rddreg [dreg:$0x1];
	p0 =	sne.s32 s2, $0x0  }
0x96: {  	s3 =	rddreg [dreg:$0x2];
	[bflag:$0x3] =	sbarrier.arrive $0xFFFF;
	s2 =	simm.s32 @!p0 $0x1C02  }
0x97: {  	[timem:s3], [sflag:s2] =	dma.local @!p0 [hbm:s0], s1  }
0x98: {  	s0 =	simm.s32 @!p0 $0x2  }
0x99: {  	_ =	swait.ge @!p0 [sflag:s0], s1  }
0x9a: {  	s1 =	ssub.s32 @!p0 $0x0, s1;
	[sflag:s0] =	ssyncset.done @!p0 $0x0  }
0x9b: {  	[sflag:s0] =	ssyncadd.s32 @!p0 s1  }
0x9c: {  	[bflag:$0x3] =	sbarrier.arrive $0xFFFF  }
0x9d: {  	_ =	shalt  }

// kernel: kernel.8.cloned.1.call-start
scs
__scs_entry_jumppad:
0x0: {  	(pc) =	sbr.rel $0x88, $3  }
0x1: {  	(tag) =	ssettag $0x0;
	lr =	simm.s32 $0x1  }
0x2: {  	[smem:$0x3F98] =	sst lr;
	_ =	strace $0xD0000000  }
0x3: {  	_ = 	snop  }
0x4: {  	_ = 	snop  }
0x5: {  	_ = 	snop  }
0x6: {  	_ = 	snop  }
0x7: {  	_ = 	snop  }
__scs_overlays_trampoline_lowered:
0x8: {  	[smem:$0x3FA7] =	sst s0  }
0x9: {  	[smem:$0x3FA8] =	sst s1  }
0xa: {  	[smem:$0x3FA9] =	sst s2  }
0xb: {  	[smem:$0x3FAA] =	sst s3  }
0xc: {  	[smem:$0x3FAB] =	sst s4  }
0xd: {  	[smem:$0x3FAC] =	sst s5  }
0xe: {  	[smem:$0x3FAD] =	sst s6  }
0xf: {  	[smem:$0x3FAE] =	sst s7  }
0x10: {  	[smem:$0x3FAF] =	sst s8  }
0x11: {  	[smem:$0x3FB0] =	sst s9;
	s0 =	simm.s32 @!p0 $0x0  }
0x12: {  	s1 =	sld [smem:$0x3F96];
	s0 =	simm.s32 @p0 $0x1  }
0x13: {  	[smem:$0x3FB1] =	sst s0;
	s0 =	simm.s32 @!p1 $0x0  }
0x14: {  	s2 =	sld [smem:$0x3F95];
	s0 =	simm.s32 @p1 $0x1  }
0x15: {  	[smem:$0x3FB2] =	sst s0;
	s0 =	simm.s32 @!p2 $0x0  }
0x16: {  	s3 =	sld [smem:$0x3FDB];
	s0 =	simm.s32 @p2 $0x1  }
0x17: {  	s4 =	simm.s32 $0x1BF5;
	[smem:$0x3FB4] =	sst s0  }
0x18: {  	s0 =	sld [smem:$0x3F97];
	_ =	swait.ge [sflag:s4], $0x0  }
0x19: {  	s7 =	sld [smem:$0x3F98]  }
0x1a: {  	s8 =	sadd.s32 $0xFFFFE003, lr  }
0x1b: {  	s9 =	sadd.s32 $0xFFFFFEF7, lr;
	s5 =	simm.s32 $0xFFFFFFFF;
	p2 =	slt.u32 s8, $0xFFFFF086  }
0x1c: {  	p1 =	slt.u32 s9, $0xF7A;
	s5 =	simm.s32 @!p2 $0x0  }
0x1d: {  	s5 =	simm.s32 @p1 $0x1;
	p0 =	seq.s32 s7, s2  }
0x1e: {  	s7 =	smul.u32 @!p0 $0xF7A, s2;
	p2 =	seq.s32 @!p0 s5, $0x0  }
0x1f: {  	s9 =	smul.u32 $0xF7A, s1;
	s8 =	simm.s32 @!p0 $0x1BF5;
	p2 =	por !p2, p0  }
0x20: {  	[sflag:s8] =	ssyncset.s32 @!p0 $0xFFFFF086;
	s6 =	sadd.s32 @!p0 s3, s7;
	s7 =	simm.s32 @!p0 $0x108  }
0x21: {  	s3 =	sadd.s32 s3, s9;
	s6 =	sadd.s32 @!p0 $0x88, s6;
	s7 =	simm.s32 @p2 $0x1082  }
0x22: {  	[simem:s7], [sflag:s8] =	dma.local @!p0 [hbm:s6], $0xF7A  }
0x23: {  	s9 =	sor.u32 $0xD0000000, s2;
	s6 =	simm.s32 $0x108;
	_ =	swait.ge @!p0 [sflag:s8], $0x0  }
0x24: {  	s3 =	sadd.s32 $0x88, s3;
	s6 =	simm.s32 @!p1 $0x1082;
	[sflag:s4] =	ssyncset.s32 $0xFFFFF086  }
0x25: {  	[simem:s6], [sflag:s4] =	dma.local [hbm:s3], $0xF7A  }
0x26: {  	[smem:$0x3F98] =	sst s1;
	(tag) =	ssettag s2;
	_ =	strace s9  }
0x27: {  	s1 =	sld [smem:$0x3FA8]  }
0x28: {  	s2 =	sld [smem:$0x3FA9]  }
0x29: {  	s4 =	sld [smem:$0x3FAB]  }
0x2a: {  	p0 =	seq.s32 s5, $0x0;
	s5 =	sld [smem:$0x3FAC]  }
0x2b: {  	s6 =	sld [smem:$0x3FAD]  }
0x2c: {  	s7 =	sld [smem:$0x3FAE]  }
0x2d: {  	s3 =	simm.s32 $0x108;
	s8 =	sld [smem:$0x3FAF]  }
0x2e: {  	s3 =	simm.s32 @!p0 $0x1082;
	s9 =	sld [smem:$0x3FB0]  }
0x2f: {  	lr =	sadd.s32 s0, s3;
	s0 =	sld [smem:$0x3FA7]  }
0x30: {  	s3 =	sld [smem:$0x3FAA]  }
0x31: {  	[smem:$0x3FB3] =	sst s10  }
0x32: {  	s10 =	sld [smem:$0x3FB1];
	_ =	sdelay $0x3  }
0x33: {  	p0 =	seq.s32 s10, $0x1;
	s10 =	sld [smem:$0x3FB3];
	_ =	sdelay $0x3  }
0x34: {  	[smem:$0x3FB3] =	sst s10  }
0x35: {  	s10 =	sld [smem:$0x3FB2];
	_ =	sdelay $0x3  }
0x36: {  	p1 =	seq.s32 s10, $0x1;
	s10 =	sld [smem:$0x3FB3];
	_ =	sdelay $0x3  }
0x37: {  	[smem:$0x3FB3] =	sst s10  }
0x38: {  	s10 =	sld [smem:$0x3FB4]  }
0x39: {  	_ = 	snop;
	(pc) =	sbr.ind lr, $3  }
0x3a: {  	_ = 	snop  }
0x3b: {  	_ = 	snop  }
0x3c: {  	p2 =	seq.s32 s10, $0x1;
	s10 =	sld [smem:$0x3FB3]  }
0x3d: {  	_ =	shalt  }
0x3e: {  	_ =	shalt  }
0x3f: {  	_ =	shalt  }
0x40: {  	_ =	shalt  }
0x41: {  	_ =	shalt  }
0x42: {  	_ =	shalt  }
0x43: {  	_ =	shalt  }
0x44: {  	_ =	shalt  }
0x45: {  	_ =	shalt  }
0x46: {  	_ =	shalt  }
0x47: {  	_ =	shalt  }
0x48: {  	_ =	shalt  }
0x49: {  	_ =	shalt  }
0x4a: {  	_ =	shalt  }
0x4b: {  	_ =	shalt  }
0x4c: {  	_ =	shalt  }
0x4d: {  	_ =	shalt  }
0x4e: {  	_ =	shalt  }
0x4f: {  	_ =	shalt  }
0x50: {  	_ =	shalt  }
0x51: {  	_ =	shalt  }
0x52: {  	_ =	shalt  }
0x53: {  	_ =	shalt  }
0x54: {  	_ =	shalt  }
0x55: {  	_ =	shalt  }
0x56: {  	_ =	shalt  }
0x57: {  	_ =	shalt  }
0x58: {  	_ =	shalt  }
0x59: {  	_ =	shalt  }
0x5a: {  	_ =	shalt  }
0x5b: {  	_ =	shalt  }
0x5c: {  	_ =	shalt  }
0x5d: {  	_ =	shalt  }
0x5e: {  	_ =	shalt  }
0x5f: {  	_ =	shalt  }
0x60: {  	_ =	shalt  }
0x61: {  	_ =	shalt  }
0x62: {  	_ =	shalt  }
0x63: {  	_ =	shalt  }
0x64: {  	_ =	shalt  }
0x65: {  	_ =	shalt  }
0x66: {  	_ =	shalt  }
0x67: {  	_ =	shalt  }
0x68: {  	_ =	shalt  }
0x69: {  	_ =	shalt  }
0x6a: {  	_ =	shalt  }
0x6b: {  	_ =	shalt  }
0x6c: {  	_ =	shalt  }
0x6d: {  	_ =	shalt  }
0x6e: {  	_ =	shalt  }
0x6f: {  	_ =	shalt  }
0x70: {  	_ =	shalt  }
0x71: {  	_ =	shalt  }
0x72: {  	_ =	shalt  }
0x73: {  	_ =	shalt  }
0x74: {  	_ =	shalt  }
0x75: {  	_ =	shalt  }
0x76: {  	_ =	shalt  }
0x77: {  	_ =	shalt  }
0x78: {  	_ =	shalt  }
0x79: {  	_ =	shalt  }
0x7a: {  	_ =	shalt  }
0x7b: {  	_ =	shalt  }
0x7c: {  	_ =	shalt  }
0x7d: {  	_ =	shalt  }
0x7e: {  	_ =	shalt  }
0x7f: {  	_ =	shalt  }
0x80: {  	_ =	shalt  }
0x81: {  	_ =	shalt  }
0x82: {  	_ =	shalt  }
0x83: {  	_ =	shalt  }
0x84: {  	_ =	shalt  }
0x85: {  	_ =	shalt  }
0x86: {  	_ =	shalt  }
0x87: {  	_ =	shalt  }
.Lfunc_end0:
.L_simem_size_0:
called_computation_lowered:
.L_overlay_start_0:
0x88: {  	s2 =	sld [smem:$0x3FD9]  }
0x89: {  	s3 =	sld [smem:$0x3FFE];
	_ =	sdelay $0x1  }
0x8a: {  	s1 =	srdreg.scid  }
0x8b: {  	s0 =	sand.u32 $0x1, s1  }
0x8c: {  	s16 =	sshll.u32 s0, $0xA;
	s2 =	sadd.s32 s3, s2  }
0x8d: {  	s2 =	sadd.s32 s2, s16  }
0x8e: {  	[smem:$0x3FBF] =	sst s2  }
0x8f: {  	_ = 	snop  }
0x90: {  	(tm) =	ssettm $0x1  }
0x91: {  	s17 =	sld [smem:$0x3FFB];
	_ =	sdelay $0x3  }
0x92: {  	_ =	strace s17  }
0x93: {  	s2 =	sld [smem:$0x3FFC];
	_ =	sdelay $0x3  }
0x94: {  	_ =	strace s2  }
0x95: {  	s2 =	sld [smem:$0x3FFD];
	_ =	sdelay $0x3  }
0x96: {  	_ =	strace s2  }
0x97: {  	_ =	strace $0x8FFFFFFF  }
0x98: {  	s18 =	sld [smem:$0x3FDB];
	_ =	sdelay $0x1  }
0x99: {  	s19 =	simm.s32 $_scs_section_size  }
0x9a: {  	s4 =	simm.s32 $_size__tile_overlayer_lowered;
	s5 =	simm.s32 $_tile_overlayer_lowered  }
0x9b: {  	s22 =	simm.s32 $0x1BFF;
	s21 =	sshll.u32 s5, $0x1;
	s2 =	sadd.s32 s19, s18  }
0x9c: {  	s6 =	simm.s32 $0x0;
	s20 =	sshll.u32 s4, $0x1;
	s4 =	sadd.s32 s21, s2  }
0x9d: {  	[timem:s6], [sflag:s22] =	dma.local [hbm:s4], s20  }
0x9e: {  	_ =	swait.ge [sflag:s22], s20  }
0x9f: {  	s3 =	ssub.s32 $0x0, s20;
	[sflag:s22] =	ssyncset.done $0x0  }
0xa0: {  	[sflag:s22] =	ssyncadd.s32 s3;
	_ =	sdelay $0x1  }
0xa1: {  	s23 =	simm.s32 $0x1B8B  }
0xa2: {  	_ =	swait.ge [sflag:s23], $0x1  }
0xa3: {  	[sflag:s23] =	ssyncset.done $0x0  }
0xa4: {  	s25 =	simm.s32 $0x1B8E;
	s24 =	sld [smem:$0x3FFE];
	[sflag:s23] =	ssyncadd.s32 $0xFFFFFFFF  }
0xa5: {  	s26 =	simm.s32 $execute0_lowered;
	[smem:$0x3FD2] =	sst s25  }
0xa6: {  	s4 =	sshll.u32 s26, $0x1;
	_ =	strace $0x80000046;
	[dreg:$0x1] =	wrdreg $0xFFFFFFFF  }
0xa7: {  	s28 =	simm.s32 $_size_execute0_lowered;
	s2 =	sadd.s32 s2, s4;
	[dreg:$0x0] =	wrdreg $0x0  }
0xa8: {  	s4 =	sshll.u32 s28, $0x1;
	[dreg:$0x2] =	wrdreg s2  }
0xa9: {  	[dreg:$0x3] =	wrdreg s4  }
0xaa: {  	[dreg:$0x4] =	wrdreg $0xC0  }
0xab: {  	_ =	task [dreg:s6], $0x5FFFF  }
0xac: {  	[dreg:$0x1] =	wrdreg $0xFFFFFFFF  }
0xad: {  	[dreg:$0x0] =	wrdreg $0x60  }
0xae: {  	[dreg:$0x2] =	wrdreg s24  }
0xaf: {  	[dreg:$0x3] =	wrdreg $0xA8000  }
0xb0: {  	[dreg:$0x4] =	wrdreg $0x9  }
0xb1: {  	_ =	task.clear_ibuf [dreg:s6], $0x5FFFF;
	_ =	strace $0x90000046  }
0xb2: {  	s29 =	simm.s32 $0x9;
	_ =	strace $0x80000048  }
0xb3: {  	_ =	swait.ge [sflag:s29], $0x1  }
0xb4: {  	[sflag:s29] =	ssyncadd.s32 $0xFFFFFFFF  }
0xb5: {  	_ =	strace $0x90000048  }
0xb6: {  	_ =	sfence  }
0xb7: {  	s30 =	sld [smem:$0x0];
	_ =	sdelay $0x2  }
0xb8: {  	s31 =	sshll.u32 s1, $0xD;
	s1 =	sshrl.u32 s1, $0x2  }
0xb9: {  	s3 =	sand.u32 $0x4000, s31;
	s1 =	sadd.s32 s1, s30  }
0xba: {  	s0 =	sor.u32 s3, s0;
	s1 =	sshll.u32 s1, $0x11  }
0xbb: {  	s0 =	sor.u32 s1, s0  }
0xbc: {  	s0 =	sadd.s32 $0x8F2B, s0  }
0xbd: {  	[sflag:s0] =	ssyncadd.remote.s32 $0x1  }
0xbe: {  	_ =	sfence.sel $0xFFFF  }
0xbf: {  	[dreg:$0x0] =	wrdreg $0xFFFFFFFF;
	(pc) =	sbr.abs _section_cstart, $3  }
0xc0: {  	[dreg:$0x1] =	wrdreg $0xFFFFFFFF  }
0xc1: {  	_ =	task.clear_ibuf [dreg:s6], $0x2FFFF;
	_ =	strace $0x9FFFFFFF  }
0xc2: {  	(tm) =	ssettm $0x7FFFFFFF  }
0xc3: {  	_ =	shalt  }
tec
execute0_lowered:
.L_overlay_start_1:
0x0: {  	(tag) =	ssettag $0x1  }
0x1: {  	s4 =	rddreg [dreg:$0x0];
	s1 =	srdreg.scid  }
0x2: {  	s0 =	stileid.u32;
	s2 =	rddreg [dreg:$0x1];
	s3 =	simm.s32 $0x0  }
0x3: {  	s22 =	simm.s32 $0x80;
	s23 =	simm.s32 $0x2800;
	s24 =	simm.s32 $0x0  }
0x4: {  	s5 =	sand.u32 $0x1, s1;
	s1 =	rddreg [dreg:$0x2];
	s8 =	smul.u32 $0x50000, s0  }
0x5: {  	s6 =	sshll.u32 s0, $0x1;
	[smem:$0x7FF] =	sst s3;
	s16 =	smul.u32 $0x14000, s0  }
0x6: {  	s19 =	sadd.s32 $0xC200, s4;
	s6 =	sor.u32 s5, s6;
	s17 =	smul.u32 $0x140000, s5  }
0x7: {  	_ =	strace $0x80000047;
	s7 =	ssub.s32 $0x2, s5;
	s6 =	smul.u32 $0x500, s6  }
0x8: {  	s28 =	sshrl.u32 s7, $0x1;
	s29 =	sshrl.u32 s8, $0x2;
	s12 =	sadd.s32 $0x4000, s16  }
0x9: {  	s14 =	sadd.s32 $0x8000, s16;
	s18 =	sadd.s32 $0xC000, s16;
	s21 =	sadd.s32 $0x10000, s16  }
0xa: {  	s7 =	ssub.s32 s7, s28;
	s11 =	sadd.s32 s17, s16;
	s13 =	sadd.s32 s17, s12  }
0xb: {  	s12 =	sadd.s32 s12, s2;
	s15 =	sadd.s32 s17, s14;
	s14 =	sadd.s32 s14, s2  }
0xc: {  	s20 =	sadd.s32 s17, s18;
	s16 =	sadd.s32 s18, s2;
	s31 =	sadd.s32 s17, s21  }
0xd: {  	s18 =	sadd.s32 s21, s2;
	s21 =	simm.s32 $0x1;
	s6 =	sadd.s32 s6, s4  }
0xe: {  	s4 =	sadd.s32 s29, s2;
	s11 =	sshrl.u32 s11, $0x3;
	s13 =	sshrl.u32 s13, $0x3  }
0xf: {  	s15 =	sshrl.u32 s15, $0x3;
	s30 =	sshrl.u32 s20, $0x3;
	s20 =	sshrl.u32 s31, $0x3  }
0x10: {  	s5 =	sadd.s32 $0x2200, s6;
	s6 =	smax.u32 s7, $0x1;
	s7 =	sadd.s32 $0x4000, s4  }
0x11: {  	s8 =	sadd.s32 $0x8000, s4;
	s9 =	sadd.s32 $0xC000, s4;
	s10 =	sadd.s32 $0x10000, s4  }
0x12: {  	s11 =	sadd.s32 s19, s11;
	s13 =	sadd.s32 s19, s13;
	s15 =	sadd.s32 s19, s15  }
0x13: {  	v0 =	vimm.f32 $1.000000000e+00;
	v1 =	vimm.f32 $0.0e+00;
	s17 =	sadd.s32 s19, s30;
	s19 =	sadd.s32 s19, s20;
	s20 =	simm.s32 $0x6800  }
.LBB2_1:
0x14: {  	s25 =	simm.s32 $0x0;
	s26 =	simm.s32 $0x200  }
.LBB2_2:
0x15: {  	p0 =	sne.s32 s26, $0xFE00;
	[tilespmem:s25+$0x6870] =	vst v1  }
0x16: {  	[tilespmem:s25+$0x2800] =	vst v0  }
0x17: {  	[tilespmem:s25+$0x6800] =	vst v1  }
0x18: {  	[tilespmem:s25+$0x2810] =	vst v0  }
0x19: {  	[tilespmem:s25+$0x6810] =	vst v1  }
0x1a: {  	[tilespmem:s25+$0x2820] =	vst v0  }
0x1b: {  	[tilespmem:s25+$0x6820] =	vst v1  }
0x1c: {  	[tilespmem:s25+$0x2830] =	vst v0  }
0x1d: {  	[tilespmem:s25+$0x6830] =	vst v1  }
0x1e: {  	[tilespmem:s25+$0x2840] =	vst v0  }
0x1f: {  	[tilespmem:s25+$0x6840] =	vst v1  }
.Ltmp0:
0x20: {  	[tilespmem:s25+$0x2850] =	vst v0;
	(pc) =	sbr.rel @p0 .LBB2_2-.Ltmp0, $4  }
0x21: {  	[tilespmem:s25+$0x6850] =	vst v1  }
0x22: {  	[tilespmem:s25+$0x2860] =	vst v0  }
0x23: {  	[tilespmem:s25+$0x6860] =	vst v1  }
0x24: {  	[tilespmem:s25+$0x2870] =	vst v0;
	s25 =	sshra.s32 s26, $0x2;
	s26 =	sadd.s32 $0x200, s26  }
0x25: {  	[tilespmem:s25+$0x6870] =	vst v1  }
0x26: {  	[tilespmem:s25+$0x2800] =	vst v0  }
0x27: {  	[tilespmem:s25+$0x6800] =	vst v1  }
0x28: {  	[tilespmem:s25+$0x2810] =	vst v0  }
0x29: {  	[tilespmem:s25+$0x6810] =	vst v1  }
0x2a: {  	[tilespmem:s25+$0x2820] =	vst v0  }
0x2b: {  	[tilespmem:s25+$0x6820] =	vst v1  }
0x2c: {  	[tilespmem:s25+$0x2830] =	vst v0  }
0x2d: {  	[tilespmem:s25+$0x6830] =	vst v1  }
0x2e: {  	[tilespmem:s25+$0x2840] =	vst v0  }
0x2f: {  	[tilespmem:s25+$0x6840] =	vst v1  }
0x30: {  	[tilespmem:s25+$0x2850] =	vst v0  }
0x31: {  	[tilespmem:s25+$0x6850] =	vst v1  }
0x32: {  	[tilespmem:s25+$0x2860] =	vst v0  }
0x33: {  	[tilespmem:s25+$0x6860] =	vst v1  }
0x34: {  	[tilespmem:s25+$0x2870] =	vst v0  }
0x35: {  	[spmem:s4] =	stream.linear.scatter [tilespmem:s20], [sflag:$0x1], $0x4000, $0x38;
	[tilespmem:$0x1E800] =	vst v63  }
0x36: {  	_ =	swait.ge [sflag:s21], $0x4000  }
0x37: {  	[sflag:s21] =	ssyncset.done $0x0  }
0x38: {  	[sflag:s21] =	ssyncadd.s32 $0xFFFFC000  }
0x39: {  	[spmem:s7] =	stream.linear.scatter [tilespmem:s20], [sflag:$0x1], $0x4000, $0x38;
	[tilespmem:$0x1E800] =	vst v63  }
0x3a: {  	_ =	swait.ge [sflag:s21], $0x4000  }
0x3b: {  	[sflag:s21] =	ssyncset.done $0x0  }
0x3c: {  	[sflag:s21] =	ssyncadd.s32 $0xFFFFC000  }
0x3d: {  	[spmem:s8] =	stream.linear.scatter [tilespmem:s20], [sflag:$0x1], $0x4000, $0x38;
	[tilespmem:$0x1E800] =	vst v63  }
0x3e: {  	_ =	swait.ge [sflag:s21], $0x4000  }
0x3f: {  	[sflag:s21] =	ssyncset.done $0x0  }
0x40: {  	[sflag:s21] =	ssyncadd.s32 $0xFFFFC000  }
0x41: {  	[spmem:s9] =	stream.linear.scatter [tilespmem:s20], [sflag:$0x1], $0x4000, $0x38;
	[tilespmem:$0x1E800] =	vst v63  }
0x42: {  	_ =	swait.ge [sflag:s21], $0x4000  }
0x43: {  	[sflag:s21] =	ssyncset.done $0x0  }
0x44: {  	[sflag:s21] =	ssyncadd.s32 $0xFFFFC000  }
0x45: {  	[spmem:s10] =	stream.linear.scatter [tilespmem:s20], [sflag:$0x1], $0x4000, $0x38;
	[tilespmem:$0x1E800] =	vst v63  }
0x46: {  	_ =	swait.ge [sflag:s21], $0x4000  }
0x47: {  	[sflag:s21] =	ssyncset.done $0x0  }
0x48: {  	s30 =	simm.s32 $0x0;
	[sflag:s21] =	ssyncadd.s32 $0xFFFFC000  }
0x49: {  	[tilespmem:s30], [sflag:$0x1] =	stream.linear.gather [hbm4b:s5+s30], $0x2780, $0x38;
	[tilespmem:$0x1E800] =	vst v63  }
0x4a: {  	_ =	swait.ge [sflag:s21], $0x2780  }
0x4b: {  	[sflag:s21] =	ssyncset.done $0x0  }
0x4c: {  	[sflag:s21] =	ssyncadd.s32 $0xFFFFD880  }
0x4d: {  	s31 =	simm.s32 $0x0;
	[bflag:$0x0] =	sbarrier.arrive $0xFFFF  }
0x4e: {  	[spmem:s2] =	stream.indirect.scatter.add.f32 [tilespmem:s23], [sflag:$0x1], $0x80, s31, s22, $0xb8;
	[tilespmem:$0x1E800] =	vst v63  }
0x4f: {  	_ =	swait.ge [sflag:s21], $0x4000  }
0x50: {  	s25 =	simm.s32 $0x200;
	[sflag:s21] =	ssyncset.done $0x0  }
.LBB2_4:
0x51: {  	s26 =	sshra.s32 s25, $0x2;
	[sflag:s21] =	ssyncadd.s32 $0xFFFFC000;
	p0 =	sne.s32 s25, $0x9C00  }
0x52: {  	[spmem:s2] =	stream.indirect.scatter.add.f32 [tilespmem:s23], [sflag:$0x1], $0x80, s26, s22, $0xb8;
	[tilespmem:$0x1E800] =	vst v63  }
.Ltmp1:
0x53: {  	_ = 	snop;
	(pc) =	sbr.rel @p0 .LBB2_4-.Ltmp1, $4  }
0x54: {  	_ = 	snop  }
0x55: {  	s25 =	sadd.s32 $0x200, s25  }
0x56: {  	_ =	swait.ge [sflag:s21], $0x4000  }
0x57: {  	[sflag:s21] =	ssyncset.done $0x0  }
0x58: {  	[sflag:s21] =	ssyncadd.s32 $0xFFFFC000  }
0x59: {  	[bflag:$0x0] =	sbarrier.arrive $0xFFFF  }
0x5a: {  	[tilespmem:s20], [sflag:$0x1] =	stream.linear.gather [spmem:s4], $0x4000, $0x38;
	[tilespmem:$0x1E800] =	vst v63  }
0x5b: {  	_ =	swait.ge [sflag:s21], $0x4000  }
0x5c: {  	[sflag:s21] =	ssyncset.done $0x0  }
0x5d: {  	[sflag:s21] =	ssyncadd.s32 $0xFFFFC000  }
0x5e: {  	[hbm4b:s11+s3] =	stream.linear.scatter [tilespmem:s20], [sflag:$0x1], $0x4000, $0x38;
	[tilespmem:$0x1E800] =	vst v63  }
0x5f: {  	_ =	swait.ge [sflag:s21], $0x4000  }
0x60: {  	[sflag:s21] =	ssyncset.done $0x0  }
0x61: {  	[sflag:s21] =	ssyncadd.s32 $0xFFFFC000  }
0x62: {  	[tilespmem:s20], [sflag:$0x1] =	stream.linear.gather [spmem:s12], $0x4000, $0x38;
	[tilespmem:$0x1E800] =	vst v63  }
0x63: {  	_ =	swait.ge [sflag:s21], $0x4000  }
0x64: {  	[sflag:s21] =	ssyncset.done $0x0  }
0x65: {  	[sflag:s21] =	ssyncadd.s32 $0xFFFFC000  }
0x66: {  	[hbm4b:s13+s3] =	stream.linear.scatter [tilespmem:s20], [sflag:$0x1], $0x4000, $0x38;
	[tilespmem:$0x1E800] =	vst v63  }
0x67: {  	_ =	swait.ge [sflag:s21], $0x4000  }
0x68: {  	[sflag:s21] =	ssyncset.done $0x0  }
0x69: {  	[sflag:s21] =	ssyncadd.s32 $0xFFFFC000  }
0x6a: {  	[tilespmem:s20], [sflag:$0x1] =	stream.linear.gather [spmem:s14], $0x4000, $0x38;
	[tilespmem:$0x1E800] =	vst v63  }
0x6b: {  	_ =	swait.ge [sflag:s21], $0x4000  }
0x6c: {  	[sflag:s21] =	ssyncset.done $0x0  }
0x6d: {  	[sflag:s21] =	ssyncadd.s32 $0xFFFFC000  }
0x6e: {  	[hbm4b:s15+s3] =	stream.linear.scatter [tilespmem:s20], [sflag:$0x1], $0x4000, $0x38;
	[tilespmem:$0x1E800] =	vst v63  }
0x6f: {  	_ =	swait.ge [sflag:s21], $0x4000  }
0x70: {  	[sflag:s21] =	ssyncset.done $0x0  }
0x71: {  	[sflag:s21] =	ssyncadd.s32 $0xFFFFC000  }
0x72: {  	[tilespmem:s20], [sflag:$0x1] =	stream.linear.gather [spmem:s16], $0x4000, $0x38;
	[tilespmem:$0x1E800] =	vst v63  }
0x73: {  	_ =	swait.ge [sflag:s21], $0x4000  }
0x74: {  	[sflag:s21] =	ssyncset.done $0x0  }
0x75: {  	[sflag:s21] =	ssyncadd.s32 $0xFFFFC000  }
0x76: {  	[hbm4b:s17+s3] =	stream.linear.scatter [tilespmem:s20], [sflag:$0x1], $0x4000, $0x38;
	[tilespmem:$0x1E800] =	vst v63  }
0x77: {  	_ =	swait.ge [sflag:s21], $0x4000  }
0x78: {  	[sflag:s21] =	ssyncset.done $0x0  }
0x79: {  	[sflag:s21] =	ssyncadd.s32 $0xFFFFC000  }
0x7a: {  	[tilespmem:s20], [sflag:$0x1] =	stream.linear.gather [spmem:s18], $0x4000, $0x38;
	[tilespmem:$0x1E800] =	vst v63  }
0x7b: {  	s24 =	sadd.s32 $0x1, s24;
	_ =	swait.ge [sflag:s21], $0x4000  }
0x7c: {  	p0 =	sne.s32 s24, s6;
	[sflag:s21] =	ssyncset.done $0x0  }
.Ltmp2:
0x7d: {  	[sflag:s21] =	ssyncadd.s32 $0xFFFFC000;
	(pc) =	sbr.rel @p0 .LBB2_1-.Ltmp2, $4  }
0x7e: {  	[hbm4b:s19+s3] =	stream.linear.scatter [tilespmem:s20], [sflag:$0x1], $0x4000, $0x38;
	[tilespmem:$0x1E800] =	vst v63  }
0x7f: {  	_ =	swait.ge [sflag:s21], $0x4000  }
0x80: {  	[sflag:s21] =	ssyncset.done $0x0  }
0x81: {  	[sflag:s21] =	ssyncadd.s32 $0xFFFFC000  }
0x82: {  	_ =	sfence.sel $0x180000  }
0x83: {  	[bflag:$0x0] =	sbarrier.arrive $0xFFFF  }
0x84: {  	p0 =	sne.s32 s0, $0x0;
	_ =	strace $0x90000047  }
0x85: {  	s0 =	sadd.s32 @!p0 $0x100000, s1;
	[bflag:$0x2] =	sbarrier.arrive $0xFFFF  }
0x86: {  	[sflag:s0] =	ssyncadd.tile.s32 @!p0 $0x1;
	_ =	shalt  }
.Lfunc_end2:
_tile_overlayer_lowered:
.L_overlay_start_2:
0x87: {  	(tag) =	ssettag $0x2  }
0x88: {  	s0 =	rddreg [dreg:$0x0];
	s2 =	stileid.u32  }
0x89: {  	s1 =	rddreg [dreg:$0x1];
	p0 =	sne.s32 s2, $0x0  }
0x8a: {  	s3 =	rddreg [dreg:$0x2];
	[bflag:$0x3] =	sbarrier.arrive $0xFFFF;
	s2 =	simm.s32 @!p0 $0x1C01  }
0x8b: {  	[timem:s3], [sflag:s2] =	dma.local @!p0 [hbm:s0], s1  }
0x8c: {  	s0 =	simm.s32 @!p0 $0x1  }
0x8d: {  	_ =	swait.ge @!p0 [sflag:s0], s1  }
0x8e: {  	s1 =	ssub.s32 @!p0 $0x0, s1;
	[sflag:s0] =	ssyncset.done @!p0 $0x0  }
0x8f: {  	[sflag:s0] =	ssyncadd.s32 @!p0 s1  }
0x90: {  	[bflag:$0x3] =	sbarrier.arrive $0xFFFF  }
0x91: {  	_ =	shalt  }

</sc_bundles>
